<compile_context>
chip_gen: v7x
topology: tpu7x:2x2x1
jax: 0.10.2.dev20260603
libtpu: 0.0.44.dev20260713+nightly
codegen_flags: <defaults>
</compile_context>

<pallas_src>
import jax
import jax.numpy as jnp
import numpy as np
from jax.experimental import pallas as pl
from jax.experimental.pallas import tpu as pltpu
from jax.experimental.pallas import tpu_sc as plsc

D_MODEL = 1024
N_HEADS = 16
DH = D_MODEL // N_HEADS
N_INPUT = 64
K_TOP = 8
B = 2
S = 2048
BM = 512
BQ = 1024
NBLK = (B * S) // BM
BLK_PER_BATCH = S // BM


def _qkv_kernel(x_ref, w_ref, b_ref, out_ref):
    x = x_ref[...]
    w = w_ref[...]
    acc = jax.lax.dot_general(x, w, (((1,), (1,)), ((), ())),
                              preferred_element_type=jnp.float32)
    acc = acc + b_ref[...]
    out_ref[0, 0] = acc.reshape(BM, N_HEADS, DH)


def _attn_kernel(q_ref, k_ref, v_ref, o_ref):
    q = q_ref[0]
    k = k_ref[0]
    v = v_ref[0]
    s = jax.lax.dot_general(q, k, (((1,), (1,)), ((), ())),
                            preferred_element_type=jnp.float32)
    s = s * jnp.float32(1.0 / np.sqrt(DH))
    m = jnp.max(s, axis=1, keepdims=True)
    p = jnp.exp(s - m)
    l = jnp.sum(p, axis=1, keepdims=True)
    p = p / l
    o_ref[0] = jnp.dot(p, v, preferred_element_type=jnp.float32)


def _out_kernel(ctx_ref, wo_ref, bo_ref, wc_ref, bc_ref,
                att_ref, fin_ref, prb_ref, ssum, smax):
    i = pl.program_id(0)
    ctxb = ctx_ref[...]
    att = jax.lax.dot_general(ctxb, wo_ref[...], (((1,), (1,)), ((), ())),
                              preferred_element_type=jnp.float32)
    att = att + bo_ref[...]
    att_ref[...] = att
    aff = jax.lax.dot_general(att, wc_ref[...], (((1,), (1,)), ((), ())),
                              preferred_element_type=jnp.float32)
    aff = aff + bc_ref[...]
    psum = jnp.sum(aff, axis=0, keepdims=True)
    pmax = jnp.max(aff, axis=0, keepdims=True)
    b = i // BLK_PER_BATCH
    rows = jax.lax.broadcasted_iota(jnp.int32, (B, 1), 0)
    mask = rows == b

    @pl.when(i == 0)
    def _():
        ssum[...] = jnp.zeros((B, N_INPUT), jnp.float32)
        smax[...] = jnp.full((B, N_INPUT), -jnp.inf, jnp.float32)

    ssum[...] = ssum[...] + jnp.where(mask, psum, 0.0)
    smax[...] = jnp.maximum(smax[...], jnp.where(mask, pmax, -jnp.inf))

    @pl.when(i == NBLK - 1)
    def _():
        ss = ssum[...]
        sm = smax[...]
        inv = jnp.float32(1.0 / (S + 1e-8))
        final = 0.5 * (ss * inv) + 0.3 * sm + 0.2 * (ss * jnp.float32(1.0 / S))
        fm = jnp.max(final, axis=1, keepdims=True)
        pe = jnp.exp(final - fm)
        probs = pe / jnp.sum(pe, axis=1, keepdims=True)
        fin_ref[...] = final
        prb_ref[...] = probs


def _sc_route_kernel(fin_hbm, prb_hbm, idx_hbm, rw_hbm,
                     fin_v, prb_v, idx_v, rw_v):
    wid_ok = (jax.lax.axis_index("c") == 0) & (jax.lax.axis_index("s") == 0)

    @pl.when(wid_ok)
    def _():
        iota = jax.lax.iota(jnp.int32, 16)
        lane8 = iota < 8
        for b in range(B):
            pltpu.sync_copy(fin_hbm.at[pl.ds(N_INPUT * b, N_INPUT)], fin_v)
            pltpu.sync_copy(prb_hbm.at[pl.ds(N_INPUT * b, N_INPUT)], prb_v)
            pairs = []
            for c in range(N_INPUT // 16):
                kk = fin_v[pl.ds(16 * c, 16)]
                vv = iota + 16 * c
                pairs.append(plsc.sort_key_val(kk, vv, descending=True))

            def merge(a, bb):
                ka, va = a
                kb, vb = bb
                mk = jnp.where(lane8, ka, jax.lax.rev(kb, (0,)))
                mv = jnp.where(lane8, va, jax.lax.rev(vb, (0,)))
                return plsc.sort_key_val(mk, mv, descending=True)

            mk, mv = merge(merge(pairs[0], pairs[1]),
                           merge(pairs[2], pairs[3]))
            thr = jnp.min(jnp.where(lane8, mk, jnp.float32(jnp.inf)))
            idx_v[...] = mv
            for c in range(N_INPUT // 16):
                fc = fin_v[pl.ds(16 * c, 16)]
                pc = prb_v[pl.ds(16 * c, 16)]
                rw_v[pl.ds(16 * c, 16)] = jnp.where(
                    fc >= thr, (1.0 - pc) + pc, (0.0 - pc) + pc)
            pltpu.sync_copy(idx_v.at[pl.ds(0, K_TOP)],
                            idx_hbm.at[pl.ds(K_TOP * b, K_TOP)])
            pltpu.sync_copy(rw_v, rw_hbm.at[pl.ds(N_INPUT * b, N_INPUT)])


def _sc_route_call(final_scores, routing_probs):
    idx1, rw1 = pl.kernel(
        _sc_route_kernel,
        out_type=[
            jax.ShapeDtypeStruct((B * K_TOP,), jnp.int32),
            jax.ShapeDtypeStruct((B * N_INPUT,), jnp.float32),
        ],
        mesh=plsc.VectorSubcoreMesh(core_axis_name="c", subcore_axis_name="s"),
        compiler_params=pltpu.CompilerParams(needs_layout_passes=False),
        scratch_types=[
            pltpu.VMEM((N_INPUT,), jnp.float32),
            pltpu.VMEM((N_INPUT,), jnp.float32),
            pltpu.VMEM((16,), jnp.int32),
            pltpu.VMEM((N_INPUT,), jnp.float32),
        ],
    )(final_scores.reshape(B * N_INPUT), routing_probs.reshape(B * N_INPUT))
    return idx1.reshape(B, K_TOP), rw1.reshape(B, N_INPUT)


def kernel(x, in_proj_w, in_proj_b, out_proj_w, out_proj_b,
           content_w, content_b, k_input):
    x2d = x.reshape(B * S, D_MODEL)

    qkv3 = pl.pallas_call(
        _qkv_kernel,
        grid=(3, NBLK),
        in_specs=[
            pl.BlockSpec((BM, D_MODEL), lambda j, i: (i, 0)),
            pl.BlockSpec((D_MODEL, D_MODEL), lambda j, i: (j, 0)),
            pl.BlockSpec((1, D_MODEL), lambda j, i: (0, j)),
        ],
        out_specs=pl.BlockSpec(
            (1, 1, BM, N_HEADS, DH),
            lambda j, i: (j, i // BLK_PER_BATCH, i % BLK_PER_BATCH, 0, 0)),
        out_shape=jax.ShapeDtypeStruct((3, B, S, N_HEADS, DH), jnp.float32),
    )(x2d, in_proj_w, in_proj_b.reshape(1, 3 * D_MODEL))

    q3 = qkv3[0].transpose(0, 2, 1, 3).reshape(B * N_HEADS, S, DH)
    k3 = qkv3[1].transpose(0, 2, 1, 3).reshape(B * N_HEADS, S, DH)
    v3 = qkv3[2].transpose(0, 2, 1, 3).reshape(B * N_HEADS, S, DH)

    ctx_h = pl.pallas_call(
        _attn_kernel,
        grid=(B * N_HEADS, S // BQ),
        in_specs=[
            pl.BlockSpec((1, BQ, DH), lambda bh, qi: (bh, qi, 0)),
            pl.BlockSpec((1, S, DH), lambda bh, qi: (bh, 0, 0)),
            pl.BlockSpec((1, S, DH), lambda bh, qi: (bh, 0, 0)),
        ],
        out_specs=pl.BlockSpec((1, BQ, DH), lambda bh, qi: (bh, qi, 0)),
        out_shape=jax.ShapeDtypeStruct((B * N_HEADS, S, DH), jnp.float32),
    )(q3, k3, v3)

    ctx2d = (ctx_h.reshape(B, N_HEADS, S, DH)
             .transpose(0, 2, 1, 3).reshape(B * S, D_MODEL))

    att2d, final_scores, routing_probs = pl.pallas_call(
        _out_kernel,
        grid=(NBLK,),
        in_specs=[
            pl.BlockSpec((BM, D_MODEL), lambda i: (i, 0)),
            pl.BlockSpec((D_MODEL, D_MODEL), lambda i: (0, 0)),
            pl.BlockSpec((1, D_MODEL), lambda i: (0, 0)),
            pl.BlockSpec((N_INPUT, D_MODEL), lambda i: (0, 0)),
            pl.BlockSpec((1, N_INPUT), lambda i: (0, 0)),
        ],
        out_specs=[
            pl.BlockSpec((BM, D_MODEL), lambda i: (i, 0)),
            pl.BlockSpec((B, N_INPUT), lambda i: (0, 0)),
            pl.BlockSpec((B, N_INPUT), lambda i: (0, 0)),
        ],
        out_shape=[
            jax.ShapeDtypeStruct((B * S, D_MODEL), jnp.float32),
            jax.ShapeDtypeStruct((B, N_INPUT), jnp.float32),
            jax.ShapeDtypeStruct((B, N_INPUT), jnp.float32),
        ],
        scratch_shapes=[
            pltpu.VMEM((B, N_INPUT), jnp.float32),
            pltpu.VMEM((B, N_INPUT), jnp.float32),
        ],
    )(ctx2d, out_proj_w, out_proj_b.reshape(1, D_MODEL),
      content_w, content_b.reshape(1, N_INPUT))

    input_idx, routing_weights = _sc_route_call(final_scores, routing_probs)
    attended = att2d.reshape(B, S, D_MODEL)
    return input_idx, routing_weights, attended

# --- scband reference (transcript-rebuilt; emitter-appended) ---
"""Pipeline reference for scband-global-router-52201032515627 (READ-ONLY COPY).

The authoritative reference and input builder live on the scoring server;
editing this copy changes nothing except your own understanding.
"""

import jax, jax.numpy as jnp
import numpy as np

D_MODEL = 1024
N_HEADS = 16
N_INPUT = 64
B = 2
S = 2048
K_INPUT = 8


def setup_inputs(seed: int = 0) -> dict:
    key = jax.random.key(seed)
    ks = jax.random.split(key, 6)
    x = jax.random.normal(ks[0], (B, S, D_MODEL), dtype=jnp.float32)
    in_proj_w = jax.random.normal(ks[1], (3 * D_MODEL, D_MODEL), dtype=jnp.float32) * (1.0 / np.sqrt(D_MODEL))
    in_proj_b = jnp.zeros((3 * D_MODEL,), dtype=jnp.float32)
    out_proj_w = jax.random.normal(ks[2], (D_MODEL, D_MODEL), dtype=jnp.float32) * (1.0 / np.sqrt(D_MODEL))
    out_proj_b = jnp.zeros((D_MODEL,), dtype=jnp.float32)
    xav = float(np.sqrt(2.0 / (D_MODEL + N_INPUT)))
    content_w = jax.random.normal(ks[3], (N_INPUT, D_MODEL), dtype=jnp.float32) * xav
    content_b = jnp.zeros((N_INPUT,), dtype=jnp.float32)
    return {
        "x": x,
        "in_proj_w": in_proj_w,
        "in_proj_b": in_proj_b,
        "out_proj_w": out_proj_w,
        "out_proj_b": out_proj_b,
        "content_w": content_w,
        "content_b": content_b,
        "k_input": K_INPUT,
    }


def _mha(x, in_proj_w, in_proj_b, out_proj_w, out_proj_b):
    # torch nn.MultiheadAttention (batch_first=True, eval mode -> no dropout),
    # need_weights=True, average_attn_weights=False
    Bq, Sq, d = x.shape
    dh = d // N_HEADS
    qkv = x @ in_proj_w.T + in_proj_b
    q, k, v = jnp.split(qkv, 3, axis=-1)
    def to_heads(t):
        return t.reshape(Bq, Sq, N_HEADS, dh).transpose(0, 2, 1, 3)
    q = to_heads(q)
    k = to_heads(k)
    v = to_heads(v)
    scores = (q @ k.transpose(0, 1, 3, 2)) / np.sqrt(dh)
    attn = jax.nn.softmax(scores, axis=-1)  # [B, H, S, S]
    ctx = attn @ v  # [B, H, S, dh]
    ctx = ctx.transpose(0, 2, 1, 3).reshape(Bq, Sq, d)
    attended = ctx @ out_proj_w.T + out_proj_b
    return attended, attn


def _router(x, in_proj_w, in_proj_b, out_proj_w, out_proj_b, content_w, content_b, k_input):
    attended, attn_weights = _mha(x, in_proj_w, in_proj_b, out_proj_w, out_proj_b)
    neuron_affinity = attended @ content_w.T + content_b  # [B, S, n_input]
    position_importance = attn_weights.mean(axis=1).sum(axis=2)  # [B, S]
    position_importance = position_importance / (position_importance.sum(axis=1, keepdims=True) + 1e-08)
    weighted_scores = (neuron_affinity * position_importance[..., None]).sum(axis=1)
    max_scores = neuron_affinity.max(axis=1)
    mean_scores = neuron_affinity.mean(axis=1)
    final_scores = 0.5 * weighted_scores + 0.3 * max_scores + 0.2 * mean_scores
    routing_probs = jax.nn.softmax(final_scores, axis=-1)
    _, input_idx = jax.lax.top_k(final_scores + 0.0 * k_input, K_INPUT)  # [B, k_input]
    one_hot = jnp.zeros_like(routing_probs).at[
        jnp.arange(routing_probs.shape[0])[:, None], input_idx
    ].set(1.0)
    # straight-through estimator: (one_hot - probs).detach() + probs
    routing_weights = jax.lax.stop_gradient(one_hot - routing_probs) + routing_probs
    return input_idx, routing_weights, attended


def reference(x, in_proj_w, in_proj_b, out_proj_w, out_proj_b, content_w, content_b, k_input):
    return _router(x, in_proj_w, in_proj_b, out_proj_w, out_proj_b, content_w, content_b, k_input)

if __name__ == "__main__":
    import jax
    _d = setup_inputs()
    print(jax.jit(kernel)(*tuple(_d.values())))

</pallas_src>

<mosaic_0001>
#map = affine_map<(d0, d1) -> (0)>
module attributes {stable_mosaic.version = 14 : i64} {
  func.func @_sc_route_kernel(%arg0: i32, %arg1: i32, %arg2: memref<128xf32, #tpu.memory_space<hbm>>, %arg3: memref<128xf32, #tpu.memory_space<hbm>>, %arg4: memref<16xi32, #tpu.memory_space<hbm>>, %arg5: memref<128xf32, #tpu.memory_space<hbm>>, %arg6: memref<64xf32, #tpu.memory_space<vmem>>, %arg7: memref<64xf32, #tpu.memory_space<vmem>>, %arg8: memref<16xi32, #tpu.memory_space<vmem>>, %arg9: memref<64xf32, #tpu.memory_space<vmem>>) attributes {dimension_semantics = [#tpu.dimension_semantics<core_parallel>, #tpu.dimension_semantics<subcore_parallel>], iteration_bounds = array<i64: 2, 16>, scalar_prefetch = 0 : i64, scratch_operands = 4 : i64, tpu.core_type = #tpu.core_type<sc_vector_subcore>, window_params = [{transform_indices = #map}, {transform_indices = #map}, {transform_indices = #map}, {transform_indices = #map}]} {
    %eq3A = arith.constant 0 : i32
    %eq3A_0 = arith.cmpi eq, %arg0, %eq3A : i32
    %eq3A_1 = arith.constant 0 : i32
    %eq3A_2 = arith.cmpi eq, %arg1, %eq3A_1 : i32
    %and3A = arith.andi %eq3A_0, %eq3A_2 : i1
    %convert_element_type3A = arith.extui %and3A : i1 to i32
    %cond3A = arith.constant 0 : i32
    %cond3A_3 = arith.cmpi ne, %convert_element_type3A, %cond3A : i32
    scf.if %cond3A_3 {
      %iota3A = tpu.iota {dimensions = array<i32: 0>} : vector<16xi32>
      %lt3A = arith.constant 8 : i32
      %lt3A_4 = vector.broadcast %lt3A : i32 to vector<16xi32>
      %lt3A_5 = arith.cmpi slt, %iota3A, %lt3A_4 : vector<16xi32>
      "tpu.region"() ({
        %run_scoped3A = tpu.sem_alloc : memref<!tpu.dma_semaphore, #tpu.memory_space<semaphore_mem>>
        %dma_start3A = arith.constant 0 : i32
        %dma_start3A_317 = tpu.memref_slice %arg2[%dma_start3A] : memref<128xf32, #tpu.memory_space<hbm>> -> memref<64xf32, #tpu.memory_space<hbm>>
        %dma_start3A_318 = arith.constant 0 : i32
        %dma_start3A_319 = tpu.memref_slice %arg2[%dma_start3A_318] : memref<128xf32, #tpu.memory_space<hbm>> -> memref<64xf32, #tpu.memory_space<hbm>>
        tpu.enqueue_dma source(%dma_start3A_319 : memref<64xf32, #tpu.memory_space<hbm>>) target(%arg6 : memref<64xf32, #tpu.memory_space<vmem>>) target_semaphore(%run_scoped3A : memref<!tpu.dma_semaphore, #tpu.memory_space<semaphore_mem>>)
        %dma_wait3A = arith.constant 0 : i32
        %dma_wait3A_320 = tpu.memref_slice %arg2[%dma_wait3A] : memref<128xf32, #tpu.memory_space<hbm>> -> memref<64xf32, #tpu.memory_space<hbm>>
        %dma_wait3A_321 = arith.constant 0 : i32
        %dma_wait3A_322 = tpu.memref_slice %arg2[%dma_wait3A_321] : memref<128xf32, #tpu.memory_space<hbm>> -> memref<64xf32, #tpu.memory_space<hbm>>
        tpu.wait_dma2 semaphore(%run_scoped3A : memref<!tpu.dma_semaphore, #tpu.memory_space<semaphore_mem>>) src(%dma_wait3A_322 : memref<64xf32, #tpu.memory_space<hbm>>) dst(%arg6 : memref<64xf32, #tpu.memory_space<vmem>>)
        tpu.yield
      }) : () -> ()
      "tpu.region"() ({
        %run_scoped3A = tpu.sem_alloc : memref<!tpu.dma_semaphore, #tpu.memory_space<semaphore_mem>>
        %dma_start3A = arith.constant 0 : i32
        %dma_start3A_317 = tpu.memref_slice %arg3[%dma_start3A] : memref<128xf32, #tpu.memory_space<hbm>> -> memref<64xf32, #tpu.memory_space<hbm>>
        %dma_start3A_318 = arith.constant 0 : i32
        %dma_start3A_319 = tpu.memref_slice %arg3[%dma_start3A_318] : memref<128xf32, #tpu.memory_space<hbm>> -> memref<64xf32, #tpu.memory_space<hbm>>
        tpu.enqueue_dma source(%dma_start3A_319 : memref<64xf32, #tpu.memory_space<hbm>>) target(%arg7 : memref<64xf32, #tpu.memory_space<vmem>>) target_semaphore(%run_scoped3A : memref<!tpu.dma_semaphore, #tpu.memory_space<semaphore_mem>>)
        %dma_wait3A = arith.constant 0 : i32
        %dma_wait3A_320 = tpu.memref_slice %arg3[%dma_wait3A] : memref<128xf32, #tpu.memory_space<hbm>> -> memref<64xf32, #tpu.memory_space<hbm>>
        %dma_wait3A_321 = arith.constant 0 : i32
        %dma_wait3A_322 = tpu.memref_slice %arg3[%dma_wait3A_321] : memref<128xf32, #tpu.memory_space<hbm>> -> memref<64xf32, #tpu.memory_space<hbm>>
        tpu.wait_dma2 semaphore(%run_scoped3A : memref<!tpu.dma_semaphore, #tpu.memory_space<semaphore_mem>>) src(%dma_wait3A_322 : memref<64xf32, #tpu.memory_space<hbm>>) dst(%arg7 : memref<64xf32, #tpu.memory_space<vmem>>)
        tpu.yield
      }) : () -> ()
      %get3A = arith.constant 0 : index
      %get3A_6 = tpu.vector_load %arg6[%get3A] {strides = array<i32>} : memref<64xf32, #tpu.memory_space<vmem>>, vector<16xf32>,
      %add3A = arith.constant 0 : i32
      %add3A_7 = vector.broadcast %add3A : i32 to vector<16xi32>
      %add3A_8 = arith.addi %iota3A, %add3A_7 : vector<16xi32>
      %masked_sort3A = arith.constant dense<true> : vector<16xi1>
      %masked_sort3A_9, %masked_sort3A_10, %masked_sort3A_11 = tpu.sort %get3A_6, %add3A_8 masked %masked_sort3A {descending = true} : (vector<16xf32>, vector<16xi32>, vector<16xi1>) -> (vector<16xi1>, vector<16xf32>, vector<16xi32>)
      %get3A_12 = arith.constant 16 : index
      %get3A_13 = tpu.vector_load %arg6[%get3A_12] {strides = array<i32>} : memref<64xf32, #tpu.memory_space<vmem>>, vector<16xf32>,
      %add3A_14 = arith.constant 16 : i32
      %add3A_15 = vector.broadcast %add3A_14 : i32 to vector<16xi32>
      %add3A_16 = arith.addi %iota3A, %add3A_15 : vector<16xi32>
      %masked_sort3A_17 = arith.constant dense<true> : vector<16xi1>
      %masked_sort3A_18, %masked_sort3A_19, %masked_sort3A_20 = tpu.sort %get3A_13, %add3A_16 masked %masked_sort3A_17 {descending = true} : (vector<16xf32>, vector<16xi32>, vector<16xi1>) -> (vector<16xi1>, vector<16xf32>, vector<16xi32>)
      %get3A_21 = arith.constant 32 : index
      %get3A_22 = tpu.vector_load %arg6[%get3A_21] {strides = array<i32>} : memref<64xf32, #tpu.memory_space<vmem>>, vector<16xf32>,
      %add3A_23 = arith.constant 32 : i32
      %add3A_24 = vector.broadcast %add3A_23 : i32 to vector<16xi32>
      %add3A_25 = arith.addi %iota3A, %add3A_24 : vector<16xi32>
      %masked_sort3A_26 = arith.constant dense<true> : vector<16xi1>
      %masked_sort3A_27, %masked_sort3A_28, %masked_sort3A_29 = tpu.sort %get3A_22, %add3A_25 masked %masked_sort3A_26 {descending = true} : (vector<16xf32>, vector<16xi32>, vector<16xi1>) -> (vector<16xi1>, vector<16xf32>, vector<16xi32>)
      %get3A_30 = arith.constant 48 : index
      %get3A_31 = tpu.vector_load %arg6[%get3A_30] {strides = array<i32>} : memref<64xf32, #tpu.memory_space<vmem>>, vector<16xf32>,
      %add3A_32 = arith.constant 48 : i32
      %add3A_33 = vector.broadcast %add3A_32 : i32 to vector<16xi32>
      %add3A_34 = arith.addi %iota3A, %add3A_33 : vector<16xi32>
      %masked_sort3A_35 = arith.constant dense<true> : vector<16xi1>
      %masked_sort3A_36, %masked_sort3A_37, %masked_sort3A_38 = tpu.sort %get3A_31, %add3A_34 masked %masked_sort3A_35 {descending = true} : (vector<16xf32>, vector<16xi32>, vector<16xi1>) -> (vector<16xi1>, vector<16xf32>, vector<16xi32>)
      %rev3A = arith.constant 15 : i32
      %rev3A_39 = vector.broadcast %rev3A : i32 to vector<16xi32>
      %rev3A_40 = tpu.iota {dimensions = array<i32: 0>} : vector<16xi32>
      %rev3A_41 = arith.subi %rev3A_39, %rev3A_40 : vector<16xi32>
      %rev3A_42 = tpu.dynamic_gather %masked_sort3A_19[%rev3A_41] in [0] : vector<16xf32>, vector<16xi32> -> vector<16xf32>
      %select_n3A = arith.select %lt3A_5, %masked_sort3A_10, %rev3A_42 : vector<16xi1>, vector<16xf32>
      %rev3A_43 = arith.constant 15 : i32
      %rev3A_44 = vector.broadcast %rev3A_43 : i32 to vector<16xi32>
      %rev3A_45 = tpu.iota {dimensions = array<i32: 0>} : vector<16xi32>
      %rev3A_46 = arith.subi %rev3A_44, %rev3A_45 : vector<16xi32>
      %rev3A_47 = tpu.dynamic_gather %masked_sort3A_20[%rev3A_46] in [0] : vector<16xi32>, vector<16xi32> -> vector<16xi32>
      %select_n3A_48 = arith.select %lt3A_5, %masked_sort3A_11, %rev3A_47 : vector<16xi1>, vector<16xi32>
      %masked_sort3A_49 = arith.constant dense<true> : vector<16xi1>
      %masked_sort3A_50, %masked_sort3A_51, %masked_sort3A_52 = tpu.sort %select_n3A, %select_n3A_48 masked %masked_sort3A_49 {descending = true} : (vector<16xf32>, vector<16xi32>, vector<16xi1>) -> (vector<16xi1>, vector<16xf32>, vector<16xi32>)
      %rev3A_53 = arith.constant 15 : i32
      %rev3A_54 = vector.broadcast %rev3A_53 : i32 to vector<16xi32>
      %rev3A_55 = tpu.iota {dimensions = array<i32: 0>} : vector<16xi32>
      %rev3A_56 = arith.subi %rev3A_54, %rev3A_55 : vector<16xi32>
      %rev3A_57 = tpu.dynamic_gather %masked_sort3A_37[%rev3A_56] in [0] : vector<16xf32>, vector<16xi32> -> vector<16xf32>
      %select_n3A_58 = arith.select %lt3A_5, %masked_sort3A_28, %rev3A_57 : vector<16xi1>, vector<16xf32>
      %rev3A_59 = arith.constant 15 : i32
      %rev3A_60 = vector.broadcast %rev3A_59 : i32 to vector<16xi32>
      %rev3A_61 = tpu.iota {dimensions = array<i32: 0>} : vector<16xi32>
      %rev3A_62 = arith.subi %rev3A_60, %rev3A_61 : vector<16xi32>
      %rev3A_63 = tpu.dynamic_gather %masked_sort3A_38[%rev3A_62] in [0] : vector<16xi32>, vector<16xi32> -> vector<16xi32>
      %select_n3A_64 = arith.select %lt3A_5, %masked_sort3A_29, %rev3A_63 : vector<16xi1>, vector<16xi32>
      %masked_sort3A_65 = arith.constant dense<true> : vector<16xi1>
      %masked_sort3A_66, %masked_sort3A_67, %masked_sort3A_68 = tpu.sort %select_n3A_58, %select_n3A_64 masked %masked_sort3A_65 {descending = true} : (vector<16xf32>, vector<16xi32>, vector<16xi1>) -> (vector<16xi1>, vector<16xf32>, vector<16xi32>)
      %rev3A_69 = arith.constant 15 : i32
      %rev3A_70 = vector.broadcast %rev3A_69 : i32 to vector<16xi32>
      %rev3A_71 = tpu.iota {dimensions = array<i32: 0>} : vector<16xi32>
      %rev3A_72 = arith.subi %rev3A_70, %rev3A_71 : vector<16xi32>
      %rev3A_73 = tpu.dynamic_gather %masked_sort3A_67[%rev3A_72] in [0] : vector<16xf32>, vector<16xi32> -> vector<16xf32>
      %select_n3A_74 = arith.select %lt3A_5, %masked_sort3A_51, %rev3A_73 : vector<16xi1>, vector<16xf32>
      %rev3A_75 = arith.constant 15 : i32
      %rev3A_76 = vector.broadcast %rev3A_75 : i32 to vector<16xi32>
      %rev3A_77 = tpu.iota {dimensions = array<i32: 0>} : vector<16xi32>
      %rev3A_78 = arith.subi %rev3A_76, %rev3A_77 : vector<16xi32>
      %rev3A_79 = tpu.dynamic_gather %masked_sort3A_68[%rev3A_78] in [0] : vector<16xi32>, vector<16xi32> -> vector<16xi32>
      %select_n3A_80 = arith.select %lt3A_5, %masked_sort3A_52, %rev3A_79 : vector<16xi1>, vector<16xi32>
      %masked_sort3A_81 = arith.constant dense<true> : vector<16xi1>
      %masked_sort3A_82, %masked_sort3A_83, %masked_sort3A_84 = tpu.sort %select_n3A_74, %select_n3A_80 masked %masked_sort3A_81 {descending = true} : (vector<16xf32>, vector<16xi32>, vector<16xi1>) -> (vector<16xi1>, vector<16xf32>, vector<16xi32>)
      %jit3A = arith.constant 0x7F800000 : f32
      %broadcast_in_dim3A = vector.broadcast %jit3A : f32 to vector<16xf32>
      %select_n3A_85 = arith.select %lt3A_5, %masked_sort3A_83, %broadcast_in_dim3A : vector<16xi1>, vector<16xf32>
      %reduce_min3A = arith.constant true
      %reduce_min3A_86 = vector.broadcast %reduce_min3A : i1 to vector<16xi1>
      %reduce_min3A_87 = tpu.scan <min>, %select_n3A_85 masked %reduce_min3A_86 : vector<16xf32>, vector<16xi1> -> vector<16xf32>
      %reduce_min3A_88 = vector.extract %reduce_min3A_87[15] : f32 from vector<16xf32>
      %swap3A = arith.constant 0 : index
      %swap3A_89 = tpu.vector_load %arg8[%swap3A] {strides = array<i32>} : memref<16xi32, #tpu.memory_space<vmem>>, vector<16xi32>,
      tpu.vector_store %arg8[%swap3A], %masked_sort3A_84 {strides = array<i32>} : memref<16xi32, #tpu.memory_space<vmem>>, vector<16xi32>,
      %get3A_90 = arith.constant 0 : index
      %get3A_91 = tpu.vector_load %arg6[%get3A_90] {strides = array<i32>} : memref<64xf32, #tpu.memory_space<vmem>>, vector<16xf32>,
      %get3A_92 = arith.constant 0 : index
      %get3A_93 = tpu.vector_load %arg7[%get3A_92] {strides = array<i32>} : memref<64xf32, #tpu.memory_space<vmem>>, vector<16xf32>,
      %ge3A = vector.broadcast %reduce_min3A_88 : f32 to vector<16xf32>
      %ge3A_94 = arith.cmpf oge, %get3A_91, %ge3A : vector<16xf32>
      %sub3A = arith.constant 1.000000e+00 : f32
      %sub3A_95 = vector.broadcast %sub3A : f32 to vector<16xf32>
      %sub3A_96 = arith.subf %sub3A_95, %get3A_93 : vector<16xf32>
      %add3A_97 = arith.addf %sub3A_96, %get3A_93 : vector<16xf32>
      %sub3A_98 = arith.constant 0.000000e+00 : f32
      %sub3A_99 = vector.broadcast %sub3A_98 : f32 to vector<16xf32>
      %sub3A_100 = arith.subf %sub3A_99, %get3A_93 : vector<16xf32>
      %add3A_101 = arith.addf %sub3A_100, %get3A_93 : vector<16xf32>
      %select_n3A_102 = arith.select %ge3A_94, %add3A_97, %add3A_101 : vector<16xi1>, vector<16xf32>
      %swap3A_103 = arith.constant 0 : index
      %swap3A_104 = tpu.vector_load %arg9[%swap3A_103] {strides = array<i32>} : memref<64xf32, #tpu.memory_space<vmem>>, vector<16xf32>,
      tpu.vector_store %arg9[%swap3A_103], %select_n3A_102 {strides = array<i32>} : memref<64xf32, #tpu.memory_space<vmem>>, vector<16xf32>,
      %get3A_105 = arith.constant 16 : index
      %get3A_106 = tpu.vector_load %arg6[%get3A_105] {strides = array<i32>} : memref<64xf32, #tpu.memory_space<vmem>>, vector<16xf32>,
      %get3A_107 = arith.constant 16 : index
      %get3A_108 = tpu.vector_load %arg7[%get3A_107] {strides = array<i32>} : memref<64xf32, #tpu.memory_space<vmem>>, vector<16xf32>,
      %ge3A_109 = vector.broadcast %reduce_min3A_88 : f32 to vector<16xf32>
      %ge3A_110 = arith.cmpf oge, %get3A_106, %ge3A_109 : vector<16xf32>
      %sub3A_111 = arith.constant 1.000000e+00 : f32
      %sub3A_112 = vector.broadcast %sub3A_111 : f32 to vector<16xf32>
      %sub3A_113 = arith.subf %sub3A_112, %get3A_108 : vector<16xf32>
      %add3A_114 = arith.addf %sub3A_113, %get3A_108 : vector<16xf32>
      %sub3A_115 = arith.constant 0.000000e+00 : f32
      %sub3A_116 = vector.broadcast %sub3A_115 : f32 to vector<16xf32>
      %sub3A_117 = arith.subf %sub3A_116, %get3A_108 : vector<16xf32>
      %add3A_118 = arith.addf %sub3A_117, %get3A_108 : vector<16xf32>
      %select_n3A_119 = arith.select %ge3A_110, %add3A_114, %add3A_118 : vector<16xi1>, vector<16xf32>
      %swap3A_120 = arith.constant 16 : index
      %swap3A_121 = tpu.vector_load %arg9[%swap3A_120] {strides = array<i32>} : memref<64xf32, #tpu.memory_space<vmem>>, vector<16xf32>,
      tpu.vector_store %arg9[%swap3A_120], %select_n3A_119 {strides = array<i32>} : memref<64xf32, #tpu.memory_space<vmem>>, vector<16xf32>,
      %get3A_122 = arith.constant 32 : index
      %get3A_123 = tpu.vector_load %arg6[%get3A_122] {strides = array<i32>} : memref<64xf32, #tpu.memory_space<vmem>>, vector<16xf32>,
      %get3A_124 = arith.constant 32 : index
      %get3A_125 = tpu.vector_load %arg7[%get3A_124] {strides = array<i32>} : memref<64xf32, #tpu.memory_space<vmem>>, vector<16xf32>,
      %ge3A_126 = vector.broadcast %reduce_min3A_88 : f32 to vector<16xf32>
      %ge3A_127 = arith.cmpf oge, %get3A_123, %ge3A_126 : vector<16xf32>
      %sub3A_128 = arith.constant 1.000000e+00 : f32
      %sub3A_129 = vector.broadcast %sub3A_128 : f32 to vector<16xf32>
      %sub3A_130 = arith.subf %sub3A_129, %get3A_125 : vector<16xf32>
      %add3A_131 = arith.addf %sub3A_130, %get3A_125 : vector<16xf32>
      %sub3A_132 = arith.constant 0.000000e+00 : f32
      %sub3A_133 = vector.broadcast %sub3A_132 : f32 to vector<16xf32>
      %sub3A_134 = arith.subf %sub3A_133, %get3A_125 : vector<16xf32>
      %add3A_135 = arith.addf %sub3A_134, %get3A_125 : vector<16xf32>
      %select_n3A_136 = arith.select %ge3A_127, %add3A_131, %add3A_135 : vector<16xi1>, vector<16xf32>
      %swap3A_137 = arith.constant 32 : index
      %swap3A_138 = tpu.vector_load %arg9[%swap3A_137] {strides = array<i32>} : memref<64xf32, #tpu.memory_space<vmem>>, vector<16xf32>,
      tpu.vector_store %arg9[%swap3A_137], %select_n3A_136 {strides = array<i32>} : memref<64xf32, #tpu.memory_space<vmem>>, vector<16xf32>,
      %get3A_139 = arith.constant 48 : index
      %get3A_140 = tpu.vector_load %arg6[%get3A_139] {strides = array<i32>} : memref<64xf32, #tpu.memory_space<vmem>>, vector<16xf32>,
      %get3A_141 = arith.constant 48 : index
      %get3A_142 = tpu.vector_load %arg7[%get3A_141] {strides = array<i32>} : memref<64xf32, #tpu.memory_space<vmem>>, vector<16xf32>,
      %ge3A_143 = vector.broadcast %reduce_min3A_88 : f32 to vector<16xf32>
      %ge3A_144 = arith.cmpf oge, %get3A_140, %ge3A_143 : vector<16xf32>
      %sub3A_145 = arith.constant 1.000000e+00 : f32
      %sub3A_146 = vector.broadcast %sub3A_145 : f32 to vector<16xf32>
      %sub3A_147 = arith.subf %sub3A_146, %get3A_142 : vector<16xf32>
      %add3A_148 = arith.addf %sub3A_147, %get3A_142 : vector<16xf32>
      %sub3A_149 = arith.constant 0.000000e+00 : f32
      %sub3A_150 = vector.broadcast %sub3A_149 : f32 to vector<16xf32>
      %sub3A_151 = arith.subf %sub3A_150, %get3A_142 : vector<16xf32>
      %add3A_152 = arith.addf %sub3A_151, %get3A_142 : vector<16xf32>
      %select_n3A_153 = arith.select %ge3A_144, %add3A_148, %add3A_152 : vector<16xi1>, vector<16xf32>
      %swap3A_154 = arith.constant 48 : index
      %swap3A_155 = tpu.vector_load %arg9[%swap3A_154] {strides = array<i32>} : memref<64xf32, #tpu.memory_space<vmem>>, vector<16xf32>,
      tpu.vector_store %arg9[%swap3A_154], %select_n3A_153 {strides = array<i32>} : memref<64xf32, #tpu.memory_space<vmem>>, vector<16xf32>,
      "tpu.region"() ({
        %run_scoped3A = tpu.sem_alloc : memref<!tpu.dma_semaphore, #tpu.memory_space<semaphore_mem>>
        %dma_start3A = arith.constant 0 : i32
        %dma_start3A_317 = tpu.memref_slice %arg8[%dma_start3A] : memref<16xi32, #tpu.memory_space<vmem>> -> memref<8xi32, #tpu.memory_space<vmem>>
        %dma_start3A_318 = arith.constant 0 : i32
        %dma_start3A_319 = tpu.memref_slice %arg4[%dma_start3A_318] : memref<16xi32, #tpu.memory_space<hbm>> -> memref<8xi32, #tpu.memory_space<hbm>>
        %dma_start3A_320 = arith.constant 0 : i32
        %dma_start3A_321 = tpu.memref_slice %arg4[%dma_start3A_320] : memref<16xi32, #tpu.memory_space<hbm>> -> memref<8xi32, #tpu.memory_space<hbm>>
        %dma_start3A_322 = arith.constant 0 : i32
        %dma_start3A_323 = tpu.memref_slice %arg8[%dma_start3A_322] : memref<16xi32, #tpu.memory_space<vmem>> -> memref<8xi32, #tpu.memory_space<vmem>>
        tpu.enqueue_dma source(%dma_start3A_323 : memref<8xi32, #tpu.memory_space<vmem>>) target(%dma_start3A_321 : memref<8xi32, #tpu.memory_space<hbm>>) target_semaphore(%run_scoped3A : memref<!tpu.dma_semaphore, #tpu.memory_space<semaphore_mem>>)
        %dma_wait3A = arith.constant 0 : i32
        %dma_wait3A_324 = tpu.memref_slice %arg8[%dma_wait3A] : memref<16xi32, #tpu.memory_space<vmem>> -> memref<8xi32, #tpu.memory_space<vmem>>
        %dma_wait3A_325 = arith.constant 0 : i32
        %dma_wait3A_326 = tpu.memref_slice %arg4[%dma_wait3A_325] : memref<16xi32, #tpu.memory_space<hbm>> -> memref<8xi32, #tpu.memory_space<hbm>>
        %dma_wait3A_327 = arith.constant 0 : i32
        %dma_wait3A_328 = tpu.memref_slice %arg4[%dma_wait3A_327] : memref<16xi32, #tpu.memory_space<hbm>> -> memref<8xi32, #tpu.memory_space<hbm>>
        %dma_wait3A_329 = arith.constant 0 : i32
        %dma_wait3A_330 = tpu.memref_slice %arg8[%dma_wait3A_329] : memref<16xi32, #tpu.memory_space<vmem>> -> memref<8xi32, #tpu.memory_space<vmem>>
        tpu.wait_dma2 semaphore(%run_scoped3A : memref<!tpu.dma_semaphore, #tpu.memory_space<semaphore_mem>>) src(%dma_wait3A_330 : memref<8xi32, #tpu.memory_space<vmem>>) dst(%dma_wait3A_328 : memref<8xi32, #tpu.memory_space<hbm>>)
        tpu.yield
      }) : () -> ()
      "tpu.region"() ({
        %run_scoped3A = tpu.sem_alloc : memref<!tpu.dma_semaphore, #tpu.memory_space<semaphore_mem>>
        %dma_start3A = arith.constant 0 : i32
        %dma_start3A_317 = tpu.memref_slice %arg5[%dma_start3A] : memref<128xf32, #tpu.memory_space<hbm>> -> memref<64xf32, #tpu.memory_space<hbm>>
        %dma_start3A_318 = arith.constant 0 : i32
        %dma_start3A_319 = tpu.memref_slice %arg5[%dma_start3A_318] : memref<128xf32, #tpu.memory_space<hbm>> -> memref<64xf32, #tpu.memory_space<hbm>>
        tpu.enqueue_dma source(%arg9 : memref<64xf32, #tpu.memory_space<vmem>>) target(%dma_start3A_319 : memref<64xf32, #tpu.memory_space<hbm>>) target_semaphore(%run_scoped3A : memref<!tpu.dma_semaphore, #tpu.memory_space<semaphore_mem>>)
        %dma_wait3A = arith.constant 0 : i32
        %dma_wait3A_320 = tpu.memref_slice %arg5[%dma_wait3A] : memref<128xf32, #tpu.memory_space<hbm>> -> memref<64xf32, #tpu.memory_space<hbm>>
        %dma_wait3A_321 = arith.constant 0 : i32
        %dma_wait3A_322 = tpu.memref_slice %arg5[%dma_wait3A_321] : memref<128xf32, #tpu.memory_space<hbm>> -> memref<64xf32, #tpu.memory_space<hbm>>
        tpu.wait_dma2 semaphore(%run_scoped3A : memref<!tpu.dma_semaphore, #tpu.memory_space<semaphore_mem>>) src(%arg9 : memref<64xf32, #tpu.memory_space<vmem>>) dst(%dma_wait3A_322 : memref<64xf32, #tpu.memory_space<hbm>>)
        tpu.yield
      }) : () -> ()
      "tpu.region"() ({
        %run_scoped3A = tpu.sem_alloc : memref<!tpu.dma_semaphore, #tpu.memory_space<semaphore_mem>>
        %dma_start3A = arith.constant 64 : i32
        %dma_start3A_317 = tpu.memref_slice %arg2[%dma_start3A] : memref<128xf32, #tpu.memory_space<hbm>> -> memref<64xf32, #tpu.memory_space<hbm>>
        %dma_start3A_318 = arith.constant 64 : i32
        %dma_start3A_319 = tpu.memref_slice %arg2[%dma_start3A_318] : memref<128xf32, #tpu.memory_space<hbm>> -> memref<64xf32, #tpu.memory_space<hbm>>
        tpu.enqueue_dma source(%dma_start3A_319 : memref<64xf32, #tpu.memory_space<hbm>>) target(%arg6 : memref<64xf32, #tpu.memory_space<vmem>>) target_semaphore(%run_scoped3A : memref<!tpu.dma_semaphore, #tpu.memory_space<semaphore_mem>>)
        %dma_wait3A = arith.constant 64 : i32
        %dma_wait3A_320 = tpu.memref_slice %arg2[%dma_wait3A] : memref<128xf32, #tpu.memory_space<hbm>> -> memref<64xf32, #tpu.memory_space<hbm>>
        %dma_wait3A_321 = arith.constant 64 : i32
        %dma_wait3A_322 = tpu.memref_slice %arg2[%dma_wait3A_321] : memref<128xf32, #tpu.memory_space<hbm>> -> memref<64xf32, #tpu.memory_space<hbm>>
        tpu.wait_dma2 semaphore(%run_scoped3A : memref<!tpu.dma_semaphore, #tpu.memory_space<semaphore_mem>>) src(%dma_wait3A_322 : memref<64xf32, #tpu.memory_space<hbm>>) dst(%arg6 : memref<64xf32, #tpu.memory_space<vmem>>)
        tpu.yield
      }) : () -> ()
      "tpu.region"() ({
        %run_scoped3A = tpu.sem_alloc : memref<!tpu.dma_semaphore, #tpu.memory_space<semaphore_mem>>
        %dma_start3A = arith.constant 64 : i32
        %dma_start3A_317 = tpu.memref_slice %arg3[%dma_start3A] : memref<128xf32, #tpu.memory_space<hbm>> -> memref<64xf32, #tpu.memory_space<hbm>>
        %dma_start3A_318 = arith.constant 64 : i32
        %dma_start3A_319 = tpu.memref_slice %arg3[%dma_start3A_318] : memref<128xf32, #tpu.memory_space<hbm>> -> memref<64xf32, #tpu.memory_space<hbm>>
        tpu.enqueue_dma source(%dma_start3A_319 : memref<64xf32, #tpu.memory_space<hbm>>) target(%arg7 : memref<64xf32, #tpu.memory_space<vmem>>) target_semaphore(%run_scoped3A : memref<!tpu.dma_semaphore, #tpu.memory_space<semaphore_mem>>)
        %dma_wait3A = arith.constant 64 : i32
        %dma_wait3A_320 = tpu.memref_slice %arg3[%dma_wait3A] : memref<128xf32, #tpu.memory_space<hbm>> -> memref<64xf32, #tpu.memory_space<hbm>>
        %dma_wait3A_321 = arith.constant 64 : i32
        %dma_wait3A_322 = tpu.memref_slice %arg3[%dma_wait3A_321] : memref<128xf32, #tpu.memory_space<hbm>> -> memref<64xf32, #tpu.memory_space<hbm>>
        tpu.wait_dma2 semaphore(%run_scoped3A : memref<!tpu.dma_semaphore, #tpu.memory_space<semaphore_mem>>) src(%dma_wait3A_322 : memref<64xf32, #tpu.memory_space<hbm>>) dst(%arg7 : memref<64xf32, #tpu.memory_space<vmem>>)
        tpu.yield
      }) : () -> ()
      %get3A_156 = arith.constant 0 : index
      %get3A_157 = tpu.vector_load %arg6[%get3A_156] {strides = array<i32>} : memref<64xf32, #tpu.memory_space<vmem>>, vector<16xf32>,
      %add3A_158 = arith.constant 0 : i32
      %add3A_159 = vector.broadcast %add3A_158 : i32 to vector<16xi32>
      %add3A_160 = arith.addi %iota3A, %add3A_159 : vector<16xi32>
      %masked_sort3A_161 = arith.constant dense<true> : vector<16xi1>
      %masked_sort3A_162, %masked_sort3A_163, %masked_sort3A_164 = tpu.sort %get3A_157, %add3A_160 masked %masked_sort3A_161 {descending = true} : (vector<16xf32>, vector<16xi32>, vector<16xi1>) -> (vector<16xi1>, vector<16xf32>, vector<16xi32>)
      %get3A_165 = arith.constant 16 : index
      %get3A_166 = tpu.vector_load %arg6[%get3A_165] {strides = array<i32>} : memref<64xf32, #tpu.memory_space<vmem>>, vector<16xf32>,
      %add3A_167 = arith.constant 16 : i32
      %add3A_168 = vector.broadcast %add3A_167 : i32 to vector<16xi32>
      %add3A_169 = arith.addi %iota3A, %add3A_168 : vector<16xi32>
      %masked_sort3A_170 = arith.constant dense<true> : vector<16xi1>
      %masked_sort3A_171, %masked_sort3A_172, %masked_sort3A_173 = tpu.sort %get3A_166, %add3A_169 masked %masked_sort3A_170 {descending = true} : (vector<16xf32>, vector<16xi32>, vector<16xi1>) -> (vector<16xi1>, vector<16xf32>, vector<16xi32>)
      %get3A_174 = arith.constant 32 : index
      %get3A_175 = tpu.vector_load %arg6[%get3A_174] {strides = array<i32>} : memref<64xf32, #tpu.memory_space<vmem>>, vector<16xf32>,
      %add3A_176 = arith.constant 32 : i32
      %add3A_177 = vector.broadcast %add3A_176 : i32 to vector<16xi32>
      %add3A_178 = arith.addi %iota3A, %add3A_177 : vector<16xi32>
      %masked_sort3A_179 = arith.constant dense<true> : vector<16xi1>
      %masked_sort3A_180, %masked_sort3A_181, %masked_sort3A_182 = tpu.sort %get3A_175, %add3A_178 masked %masked_sort3A_179 {descending = true} : (vector<16xf32>, vector<16xi32>, vector<16xi1>) -> (vector<16xi1>, vector<16xf32>, vector<16xi32>)
      %get3A_183 = arith.constant 48 : index
      %get3A_184 = tpu.vector_load %arg6[%get3A_183] {strides = array<i32>} : memref<64xf32, #tpu.memory_space<vmem>>, vector<16xf32>,
      %add3A_185 = arith.constant 48 : i32
      %add3A_186 = vector.broadcast %add3A_185 : i32 to vector<16xi32>
      %add3A_187 = arith.addi %iota3A, %add3A_186 : vector<16xi32>
      %masked_sort3A_188 = arith.constant dense<true> : vector<16xi1>
      %masked_sort3A_189, %masked_sort3A_190, %masked_sort3A_191 = tpu.sort %get3A_184, %add3A_187 masked %masked_sort3A_188 {descending = true} : (vector<16xf32>, vector<16xi32>, vector<16xi1>) -> (vector<16xi1>, vector<16xf32>, vector<16xi32>)
      %rev3A_192 = arith.constant 15 : i32
      %rev3A_193 = vector.broadcast %rev3A_192 : i32 to vector<16xi32>
      %rev3A_194 = tpu.iota {dimensions = array<i32: 0>} : vector<16xi32>
      %rev3A_195 = arith.subi %rev3A_193, %rev3A_194 : vector<16xi32>
      %rev3A_196 = tpu.dynamic_gather %masked_sort3A_172[%rev3A_195] in [0] : vector<16xf32>, vector<16xi32> -> vector<16xf32>
      %select_n3A_197 = arith.select %lt3A_5, %masked_sort3A_163, %rev3A_196 : vector<16xi1>, vector<16xf32>
      %rev3A_198 = arith.constant 15 : i32
      %rev3A_199 = vector.broadcast %rev3A_198 : i32 to vector<16xi32>
      %rev3A_200 = tpu.iota {dimensions = array<i32: 0>} : vector<16xi32>
      %rev3A_201 = arith.subi %rev3A_199, %rev3A_200 : vector<16xi32>
      %rev3A_202 = tpu.dynamic_gather %masked_sort3A_173[%rev3A_201] in [0] : vector<16xi32>, vector<16xi32> -> vector<16xi32>
      %select_n3A_203 = arith.select %lt3A_5, %masked_sort3A_164, %rev3A_202 : vector<16xi1>, vector<16xi32>
      %masked_sort3A_204 = arith.constant dense<true> : vector<16xi1>
      %masked_sort3A_205, %masked_sort3A_206, %masked_sort3A_207 = tpu.sort %select_n3A_197, %select_n3A_203 masked %masked_sort3A_204 {descending = true} : (vector<16xf32>, vector<16xi32>, vector<16xi1>) -> (vector<16xi1>, vector<16xf32>, vector<16xi32>)
      %rev3A_208 = arith.constant 15 : i32
      %rev3A_209 = vector.broadcast %rev3A_208 : i32 to vector<16xi32>
      %rev3A_210 = tpu.iota {dimensions = array<i32: 0>} : vector<16xi32>
      %rev3A_211 = arith.subi %rev3A_209, %rev3A_210 : vector<16xi32>
      %rev3A_212 = tpu.dynamic_gather %masked_sort3A_190[%rev3A_211] in [0] : vector<16xf32>, vector<16xi32> -> vector<16xf32>
      %select_n3A_213 = arith.select %lt3A_5, %masked_sort3A_181, %rev3A_212 : vector<16xi1>, vector<16xf32>
      %rev3A_214 = arith.constant 15 : i32
      %rev3A_215 = vector.broadcast %rev3A_214 : i32 to vector<16xi32>
      %rev3A_216 = tpu.iota {dimensions = array<i32: 0>} : vector<16xi32>
      %rev3A_217 = arith.subi %rev3A_215, %rev3A_216 : vector<16xi32>
      %rev3A_218 = tpu.dynamic_gather %masked_sort3A_191[%rev3A_217] in [0] : vector<16xi32>, vector<16xi32> -> vector<16xi32>
      %select_n3A_219 = arith.select %lt3A_5, %masked_sort3A_182, %rev3A_218 : vector<16xi1>, vector<16xi32>
      %masked_sort3A_220 = arith.constant dense<true> : vector<16xi1>
      %masked_sort3A_221, %masked_sort3A_222, %masked_sort3A_223 = tpu.sort %select_n3A_213, %select_n3A_219 masked %masked_sort3A_220 {descending = true} : (vector<16xf32>, vector<16xi32>, vector<16xi1>) -> (vector<16xi1>, vector<16xf32>, vector<16xi32>)
      %rev3A_224 = arith.constant 15 : i32
      %rev3A_225 = vector.broadcast %rev3A_224 : i32 to vector<16xi32>
      %rev3A_226 = tpu.iota {dimensions = array<i32: 0>} : vector<16xi32>
      %rev3A_227 = arith.subi %rev3A_225, %rev3A_226 : vector<16xi32>
      %rev3A_228 = tpu.dynamic_gather %masked_sort3A_222[%rev3A_227] in [0] : vector<16xf32>, vector<16xi32> -> vector<16xf32>
      %select_n3A_229 = arith.select %lt3A_5, %masked_sort3A_206, %rev3A_228 : vector<16xi1>, vector<16xf32>
      %rev3A_230 = arith.constant 15 : i32
      %rev3A_231 = vector.broadcast %rev3A_230 : i32 to vector<16xi32>
      %rev3A_232 = tpu.iota {dimensions = array<i32: 0>} : vector<16xi32>
      %rev3A_233 = arith.subi %rev3A_231, %rev3A_232 : vector<16xi32>
      %rev3A_234 = tpu.dynamic_gather %masked_sort3A_223[%rev3A_233] in [0] : vector<16xi32>, vector<16xi32> -> vector<16xi32>
      %select_n3A_235 = arith.select %lt3A_5, %masked_sort3A_207, %rev3A_234 : vector<16xi1>, vector<16xi32>
      %masked_sort3A_236 = arith.constant dense<true> : vector<16xi1>
      %masked_sort3A_237, %masked_sort3A_238, %masked_sort3A_239 = tpu.sort %select_n3A_229, %select_n3A_235 masked %masked_sort3A_236 {descending = true} : (vector<16xf32>, vector<16xi32>, vector<16xi1>) -> (vector<16xi1>, vector<16xf32>, vector<16xi32>)
      %jit3A_240 = arith.constant 0x7F800000 : f32
      %broadcast_in_dim3A_241 = vector.broadcast %jit3A_240 : f32 to vector<16xf32>
      %select_n3A_242 = arith.select %lt3A_5, %masked_sort3A_238, %broadcast_in_dim3A_241 : vector<16xi1>, vector<16xf32>
      %reduce_min3A_243 = arith.constant true
      %reduce_min3A_244 = vector.broadcast %reduce_min3A_243 : i1 to vector<16xi1>
      %reduce_min3A_245 = tpu.scan <min>, %select_n3A_242 masked %reduce_min3A_244 : vector<16xf32>, vector<16xi1> -> vector<16xf32>
      %reduce_min3A_246 = vector.extract %reduce_min3A_245[15] : f32 from vector<16xf32>
      %swap3A_247 = arith.constant 0 : index
      %swap3A_248 = tpu.vector_load %arg8[%swap3A_247] {strides = array<i32>} : memref<16xi32, #tpu.memory_space<vmem>>, vector<16xi32>,
      tpu.vector_store %arg8[%swap3A_247], %masked_sort3A_239 {strides = array<i32>} : memref<16xi32, #tpu.memory_space<vmem>>, vector<16xi32>,
      %get3A_249 = arith.constant 0 : index
      %get3A_250 = tpu.vector_load %arg6[%get3A_249] {strides = array<i32>} : memref<64xf32, #tpu.memory_space<vmem>>, vector<16xf32>,
      %get3A_251 = arith.constant 0 : index
      %get3A_252 = tpu.vector_load %arg7[%get3A_251] {strides = array<i32>} : memref<64xf32, #tpu.memory_space<vmem>>, vector<16xf32>,
      %ge3A_253 = vector.broadcast %reduce_min3A_246 : f32 to vector<16xf32>
      %ge3A_254 = arith.cmpf oge, %get3A_250, %ge3A_253 : vector<16xf32>
      %sub3A_255 = arith.constant 1.000000e+00 : f32
      %sub3A_256 = vector.broadcast %sub3A_255 : f32 to vector<16xf32>
      %sub3A_257 = arith.subf %sub3A_256, %get3A_252 : vector<16xf32>
      %add3A_258 = arith.addf %sub3A_257, %get3A_252 : vector<16xf32>
      %sub3A_259 = arith.constant 0.000000e+00 : f32
      %sub3A_260 = vector.broadcast %sub3A_259 : f32 to vector<16xf32>
      %sub3A_261 = arith.subf %sub3A_260, %get3A_252 : vector<16xf32>
      %add3A_262 = arith.addf %sub3A_261, %get3A_252 : vector<16xf32>
      %select_n3A_263 = arith.select %ge3A_254, %add3A_258, %add3A_262 : vector<16xi1>, vector<16xf32>
      %swap3A_264 = arith.constant 0 : index
      %swap3A_265 = tpu.vector_load %arg9[%swap3A_264] {strides = array<i32>} : memref<64xf32, #tpu.memory_space<vmem>>, vector<16xf32>,
      tpu.vector_store %arg9[%swap3A_264], %select_n3A_263 {strides = array<i32>} : memref<64xf32, #tpu.memory_space<vmem>>, vector<16xf32>,
      %get3A_266 = arith.constant 16 : index
      %get3A_267 = tpu.vector_load %arg6[%get3A_266] {strides = array<i32>} : memref<64xf32, #tpu.memory_space<vmem>>, vector<16xf32>,
      %get3A_268 = arith.constant 16 : index
      %get3A_269 = tpu.vector_load %arg7[%get3A_268] {strides = array<i32>} : memref<64xf32, #tpu.memory_space<vmem>>, vector<16xf32>,
      %ge3A_270 = vector.broadcast %reduce_min3A_246 : f32 to vector<16xf32>
      %ge3A_271 = arith.cmpf oge, %get3A_267, %ge3A_270 : vector<16xf32>
      %sub3A_272 = arith.constant 1.000000e+00 : f32
      %sub3A_273 = vector.broadcast %sub3A_272 : f32 to vector<16xf32>
      %sub3A_274 = arith.subf %sub3A_273, %get3A_269 : vector<16xf32>
      %add3A_275 = arith.addf %sub3A_274, %get3A_269 : vector<16xf32>
      %sub3A_276 = arith.constant 0.000000e+00 : f32
      %sub3A_277 = vector.broadcast %sub3A_276 : f32 to vector<16xf32>
      %sub3A_278 = arith.subf %sub3A_277, %get3A_269 : vector<16xf32>
      %add3A_279 = arith.addf %sub3A_278, %get3A_269 : vector<16xf32>
      %select_n3A_280 = arith.select %ge3A_271, %add3A_275, %add3A_279 : vector<16xi1>, vector<16xf32>
      %swap3A_281 = arith.constant 16 : index
      %swap3A_282 = tpu.vector_load %arg9[%swap3A_281] {strides = array<i32>} : memref<64xf32, #tpu.memory_space<vmem>>, vector<16xf32>,
      tpu.vector_store %arg9[%swap3A_281], %select_n3A_280 {strides = array<i32>} : memref<64xf32, #tpu.memory_space<vmem>>, vector<16xf32>,
      %get3A_283 = arith.constant 32 : index
      %get3A_284 = tpu.vector_load %arg6[%get3A_283] {strides = array<i32>} : memref<64xf32, #tpu.memory_space<vmem>>, vector<16xf32>,
      %get3A_285 = arith.constant 32 : index
      %get3A_286 = tpu.vector_load %arg7[%get3A_285] {strides = array<i32>} : memref<64xf32, #tpu.memory_space<vmem>>, vector<16xf32>,
      %ge3A_287 = vector.broadcast %reduce_min3A_246 : f32 to vector<16xf32>
      %ge3A_288 = arith.cmpf oge, %get3A_284, %ge3A_287 : vector<16xf32>
      %sub3A_289 = arith.constant 1.000000e+00 : f32
      %sub3A_290 = vector.broadcast %sub3A_289 : f32 to vector<16xf32>
      %sub3A_291 = arith.subf %sub3A_290, %get3A_286 : vector<16xf32>
      %add3A_292 = arith.addf %sub3A_291, %get3A_286 : vector<16xf32>
      %sub3A_293 = arith.constant 0.000000e+00 : f32
      %sub3A_294 = vector.broadcast %sub3A_293 : f32 to vector<16xf32>
      %sub3A_295 = arith.subf %sub3A_294, %get3A_286 : vector<16xf32>
      %add3A_296 = arith.addf %sub3A_295, %get3A_286 : vector<16xf32>
      %select_n3A_297 = arith.select %ge3A_288, %add3A_292, %add3A_296 : vector<16xi1>, vector<16xf32>
      %swap3A_298 = arith.constant 32 : index
      %swap3A_299 = tpu.vector_load %arg9[%swap3A_298] {strides = array<i32>} : memref<64xf32, #tpu.memory_space<vmem>>, vector<16xf32>,
      tpu.vector_store %arg9[%swap3A_298], %select_n3A_297 {strides = array<i32>} : memref<64xf32, #tpu.memory_space<vmem>>, vector<16xf32>,
      %get3A_300 = arith.constant 48 : index
      %get3A_301 = tpu.vector_load %arg6[%get3A_300] {strides = array<i32>} : memref<64xf32, #tpu.memory_space<vmem>>, vector<16xf32>,
      %get3A_302 = arith.constant 48 : index
      %get3A_303 = tpu.vector_load %arg7[%get3A_302] {strides = array<i32>} : memref<64xf32, #tpu.memory_space<vmem>>, vector<16xf32>,
      %ge3A_304 = vector.broadcast %reduce_min3A_246 : f32 to vector<16xf32>
      %ge3A_305 = arith.cmpf oge, %get3A_301, %ge3A_304 : vector<16xf32>
      %sub3A_306 = arith.constant 1.000000e+00 : f32
      %sub3A_307 = vector.broadcast %sub3A_306 : f32 to vector<16xf32>
      %sub3A_308 = arith.subf %sub3A_307, %get3A_303 : vector<16xf32>
      %add3A_309 = arith.addf %sub3A_308, %get3A_303 : vector<16xf32>
      %sub3A_310 = arith.constant 0.000000e+00 : f32
      %sub3A_311 = vector.broadcast %sub3A_310 : f32 to vector<16xf32>
      %sub3A_312 = arith.subf %sub3A_311, %get3A_303 : vector<16xf32>
      %add3A_313 = arith.addf %sub3A_312, %get3A_303 : vector<16xf32>
      %select_n3A_314 = arith.select %ge3A_305, %add3A_309, %add3A_313 : vector<16xi1>, vector<16xf32>
      %swap3A_315 = arith.constant 48 : index
      %swap3A_316 = tpu.vector_load %arg9[%swap3A_315] {strides = array<i32>} : memref<64xf32, #tpu.memory_space<vmem>>, vector<16xf32>,
      tpu.vector_store %arg9[%swap3A_315], %select_n3A_314 {strides = array<i32>} : memref<64xf32, #tpu.memory_space<vmem>>, vector<16xf32>,
      "tpu.region"() ({
        %run_scoped3A = tpu.sem_alloc : memref<!tpu.dma_semaphore, #tpu.memory_space<semaphore_mem>>
        %dma_start3A = arith.constant 0 : i32
        %dma_start3A_317 = tpu.memref_slice %arg8[%dma_start3A] : memref<16xi32, #tpu.memory_space<vmem>> -> memref<8xi32, #tpu.memory_space<vmem>>
        %dma_start3A_318 = arith.constant 8 : i32
        %dma_start3A_319 = tpu.memref_slice %arg4[%dma_start3A_318] : memref<16xi32, #tpu.memory_space<hbm>> -> memref<8xi32, #tpu.memory_space<hbm>>
        %dma_start3A_320 = arith.constant 8 : i32
        %dma_start3A_321 = tpu.memref_slice %arg4[%dma_start3A_320] : memref<16xi32, #tpu.memory_space<hbm>> -> memref<8xi32, #tpu.memory_space<hbm>>
        %dma_start3A_322 = arith.constant 0 : i32
        %dma_start3A_323 = tpu.memref_slice %arg8[%dma_start3A_322] : memref<16xi32, #tpu.memory_space<vmem>> -> memref<8xi32, #tpu.memory_space<vmem>>
        tpu.enqueue_dma source(%dma_start3A_323 : memref<8xi32, #tpu.memory_space<vmem>>) target(%dma_start3A_321 : memref<8xi32, #tpu.memory_space<hbm>>) target_semaphore(%run_scoped3A : memref<!tpu.dma_semaphore, #tpu.memory_space<semaphore_mem>>)
        %dma_wait3A = arith.constant 0 : i32
        %dma_wait3A_324 = tpu.memref_slice %arg8[%dma_wait3A] : memref<16xi32, #tpu.memory_space<vmem>> -> memref<8xi32, #tpu.memory_space<vmem>>
        %dma_wait3A_325 = arith.constant 8 : i32
        %dma_wait3A_326 = tpu.memref_slice %arg4[%dma_wait3A_325] : memref<16xi32, #tpu.memory_space<hbm>> -> memref<8xi32, #tpu.memory_space<hbm>>
        %dma_wait3A_327 = arith.constant 8 : i32
        %dma_wait3A_328 = tpu.memref_slice %arg4[%dma_wait3A_327] : memref<16xi32, #tpu.memory_space<hbm>> -> memref<8xi32, #tpu.memory_space<hbm>>
        %dma_wait3A_329 = arith.constant 0 : i32
        %dma_wait3A_330 = tpu.memref_slice %arg8[%dma_wait3A_329] : memref<16xi32, #tpu.memory_space<vmem>> -> memref<8xi32, #tpu.memory_space<vmem>>
        tpu.wait_dma2 semaphore(%run_scoped3A : memref<!tpu.dma_semaphore, #tpu.memory_space<semaphore_mem>>) src(%dma_wait3A_330 : memref<8xi32, #tpu.memory_space<vmem>>) dst(%dma_wait3A_328 : memref<8xi32, #tpu.memory_space<hbm>>)
        tpu.yield
      }) : () -> ()
      "tpu.region"() ({
        %run_scoped3A = tpu.sem_alloc : memref<!tpu.dma_semaphore, #tpu.memory_space<semaphore_mem>>
        %dma_start3A = arith.constant 64 : i32
        %dma_start3A_317 = tpu.memref_slice %arg5[%dma_start3A] : memref<128xf32, #tpu.memory_space<hbm>> -> memref<64xf32, #tpu.memory_space<hbm>>
        %dma_start3A_318 = arith.constant 64 : i32
        %dma_start3A_319 = tpu.memref_slice %arg5[%dma_start3A_318] : memref<128xf32, #tpu.memory_space<hbm>> -> memref<64xf32, #tpu.memory_space<hbm>>
        tpu.enqueue_dma source(%arg9 : memref<64xf32, #tpu.memory_space<vmem>>) target(%dma_start3A_319 : memref<64xf32, #tpu.memory_space<hbm>>) target_semaphore(%run_scoped3A : memref<!tpu.dma_semaphore, #tpu.memory_space<semaphore_mem>>)
        %dma_wait3A = arith.constant 64 : i32
        %dma_wait3A_320 = tpu.memref_slice %arg5[%dma_wait3A] : memref<128xf32, #tpu.memory_space<hbm>> -> memref<64xf32, #tpu.memory_space<hbm>>
        %dma_wait3A_321 = arith.constant 64 : i32
        %dma_wait3A_322 = tpu.memref_slice %arg5[%dma_wait3A_321] : memref<128xf32, #tpu.memory_space<hbm>> -> memref<64xf32, #tpu.memory_space<hbm>>
        tpu.wait_dma2 semaphore(%run_scoped3A : memref<!tpu.dma_semaphore, #tpu.memory_space<semaphore_mem>>) src(%arg9 : memref<64xf32, #tpu.memory_space<vmem>>) dst(%dma_wait3A_322 : memref<64xf32, #tpu.memory_space<hbm>>)
        tpu.yield
      }) : () -> ()
    } else {
    }
    return
  }
}

module attributes {stable_mosaic.version = 14 : i64} {
  func.func @_qkv_kernel(%arg0: i32, %arg1: i32, %arg2: memref<512x1024xf32, #tpu.memory_space<vmem>>, %arg3: memref<1024x1024xf32, #tpu.memory_space<vmem>>, %arg4: memref<1x1024xf32, #tpu.memory_space<vmem>>, %arg5: memref<1x1x512x16x64xf32, #tpu.memory_space<vmem>>) attributes {dimension_semantics = [#tpu.dimension_semantics<arbitrary>, #tpu.dimension_semantics<arbitrary>], iteration_bounds = array<i64: 3, 8>, scalar_prefetch = 0 : i64, scratch_operands = 0 : i64, tpu.core_type = #tpu.core_type<tc>, window_params = [{transform_indices = @transform_0, window_bounds = array<i64: 512, 1024>}, {transform_indices = @transform_1, window_bounds = array<i64: 1024, 1024>}, {transform_indices = @transform_2, window_bounds = array<i64: 1, 1024>}, {transform_indices = @transform_3, window_bounds = array<i64: 1, 1, 512, 16, 64>}]} {
    %get3A = arith.constant 0 : index
    %get3A_0 = arith.constant 0 : index
    %get3A_1 = vector.load %arg2[%get3A, %get3A_0] : memref<512x1024xf32, #tpu.memory_space<vmem>>, vector<512x1024xf32>
    %get3A_2 = arith.constant 0 : index
    %get3A_3 = arith.constant 0 : index
    %get3A_4 = vector.load %arg3[%get3A_2, %get3A_3] : memref<1024x1024xf32, #tpu.memory_space<vmem>>, vector<1024x1024xf32>
    %dot_general3A = arith.constant dense<0.000000e+00> : vector<512x1024xf32>
    %dot_general3A_5 = tpu.matmul %get3A_1, %get3A_4, %dot_general3A {dimension_numbers = #tpu.dot_dimension_numbers<[1], [1], [0], [0], [0, 0, 1, 0], [], []>, transpose_lhs_hint = false} : vector<512x1024xf32>, vector<1024x1024xf32>, vector<512x1024xf32> -> vector<512x1024xf32>
    %get3A_6 = arith.constant 0 : index
    %get3A_7 = arith.constant 0 : index
    %get3A_8 = vector.load %arg4[%get3A_6, %get3A_7] : memref<1x1024xf32, #tpu.memory_space<vmem>>, vector<1x1024xf32>
    %add3A = vector.broadcast %get3A_8 : vector<1x1024xf32> to vector<512x1024xf32>
    %add3A_9 = arith.addf %dot_general3A_5, %add3A : vector<512x1024xf32>
    %reshape3A = vector.shape_cast %add3A_9 : vector<512x1024xf32> to vector<512x16x64xf32>
    %swap3A = arith.constant 0 : index
    %swap3A_10 = arith.constant 0 : index
    %swap3A_11 = arith.constant 0 : index
    %swap3A_12 = arith.constant 0 : index
    %swap3A_13 = arith.constant 0 : index
    %swap3A_14 = vector.load %arg5[%swap3A, %swap3A_10, %swap3A_11, %swap3A_12, %swap3A_13] : memref<1x1x512x16x64xf32, #tpu.memory_space<vmem>>, vector<1x1x512x16x64xf32>
    %swap3A_15 = vector.shape_cast %swap3A_14 : vector<1x1x512x16x64xf32> to vector<512x16x64xf32>
    %swap3A_16 = vector.shape_cast %reshape3A : vector<512x16x64xf32> to vector<1x1x512x16x64xf32>
    tpu.vector_store %arg5[%swap3A, %swap3A_10, %swap3A_11, %swap3A_12, %swap3A_13], %swap3A_16 {strides = array<i32>} : memref<1x1x512x16x64xf32, #tpu.memory_space<vmem>>, vector<1x1x512x16x64xf32>,
    return
  }
  func.func @transform_0(%arg0: i32, %arg1: i32) -> (i32, i32) {
    %c0_i32 = arith.constant 0 : i32
    %c0_i32_0 = arith.constant 0 : i32
    return %arg1, %c0_i32 : i32, i32
  }
  func.func @transform_1(%arg0: i32, %arg1: i32) -> (i32, i32) {
    %c0_i32 = arith.constant 0 : i32
    %c0_i32_0 = arith.constant 0 : i32
    return %arg0, %c0_i32 : i32, i32
  }
  func.func @transform_2(%arg0: i32, %arg1: i32) -> (i32, i32) {
    %c0_i32 = arith.constant 0 : i32
    %c0_i32_0 = arith.constant 0 : i32
    return %c0_i32, %arg0 : i32, i32
  }
  func.func @transform_3(%arg0: i32, %arg1: i32) -> (i32, i32, i32, i32, i32) {
    %jit3A = arith.constant 4 : i32
    %div3A = arith.divsi %arg1, %jit3A : i32
    %sign3A = arith.constant 0 : i32
    %sign3A_0 = arith.cmpi sgt, %arg1, %sign3A : i32
    %sign3A_1 = arith.extui %sign3A_0 : i1 to i32
    %sign3A_2 = arith.constant 0 : i32
    %sign3A_3 = arith.cmpi slt, %arg1, %sign3A_2 : i32
    %sign3A_4 = arith.extui %sign3A_3 : i1 to i32
    %sign3A_5 = arith.subi %sign3A_1, %sign3A_4 : i32
    %sign3A_6 = arith.constant 0 : i32
    %sign3A_7 = arith.cmpi sgt, %jit3A, %sign3A_6 : i32
    %sign3A_8 = arith.extui %sign3A_7 : i1 to i32
    %sign3A_9 = arith.constant 0 : i32
    %sign3A_10 = arith.cmpi slt, %jit3A, %sign3A_9 : i32
    %sign3A_11 = arith.extui %sign3A_10 : i1 to i32
    %sign3A_12 = arith.subi %sign3A_8, %sign3A_11 : i32
    %ne3A = arith.cmpi ne, %sign3A_5, %sign3A_12 : i32
    %rem3A = arith.remsi %arg1, %jit3A : i32
    %ne3A_13 = arith.constant 0 : i32
    %ne3A_14 = arith.cmpi ne, %rem3A, %ne3A_13 : i32
    %and3A = arith.andi %ne3A, %ne3A_14 : i1
    %sub3A = arith.constant 1 : i32
    %sub3A_15 = arith.subi %div3A, %sub3A : i32
    %select_n3A = arith.select %and3A, %sub3A_15, %div3A : i32
    %jit3A_16 = arith.constant 4 : i32
    %eq3A = arith.constant 0 : i32
    %eq3A_17 = arith.cmpi eq, %jit3A_16, %eq3A : i32
    %jit3A_18 = arith.constant 1 : i32
    %select_n3A_19 = arith.select %eq3A_17, %jit3A_18, %jit3A_16 : i32
    %rem3A_20 = arith.remsi %arg1, %select_n3A_19 : i32
    %ne3A_21 = arith.constant 0 : i32
    %ne3A_22 = arith.cmpi ne, %rem3A_20, %ne3A_21 : i32
    %lt3A = arith.constant 0 : i32
    %lt3A_23 = arith.cmpi slt, %rem3A_20, %lt3A : i32
    %lt3A_24 = arith.constant 0 : i32
    %lt3A_25 = arith.cmpi slt, %select_n3A_19, %lt3A_24 : i32
    %ne3A_26 = arith.xori %lt3A_23, %lt3A_25 : i1
    %and3A_27 = arith.andi %ne3A_26, %ne3A_22 : i1
    %add3A = arith.addi %rem3A_20, %select_n3A_19 : i32
    %select_n3A_28 = arith.select %and3A_27, %add3A, %rem3A_20 : i32
    %c0_i32 = arith.constant 0 : i32
    %c0_i32_29 = arith.constant 0 : i32
    %c0_i32_30 = arith.constant 0 : i32
    return %arg0, %select_n3A, %select_n3A_28, %c0_i32, %c0_i32_29 : i32, i32, i32, i32, i32
  }
}

module attributes {stable_mosaic.version = 14 : i64} {
  func.func @_attn_kernel(%arg0: i32, %arg1: i32, %arg2: memref<1x1024x64xf32, #tpu.memory_space<vmem>>, %arg3: memref<1x2048x64xf32, #tpu.memory_space<vmem>>, %arg4: memref<1x2048x64xf32, #tpu.memory_space<vmem>>, %arg5: memref<1x1024x64xf32, #tpu.memory_space<vmem>>) attributes {dimension_semantics = [#tpu.dimension_semantics<arbitrary>, #tpu.dimension_semantics<arbitrary>], iteration_bounds = array<i64: 32, 2>, scalar_prefetch = 0 : i64, scratch_operands = 0 : i64, tpu.core_type = #tpu.core_type<tc>, window_params = [{transform_indices = @transform_0, window_bounds = array<i64: 1, 1024, 64>}, {transform_indices = @transform_1, window_bounds = array<i64: 1, 2048, 64>}, {transform_indices = @transform_2, window_bounds = array<i64: 1, 2048, 64>}, {transform_indices = @transform_3, window_bounds = array<i64: 1, 1024, 64>}]} {
    %get3A = arith.constant 0 : index
    %get3A_0 = arith.constant 0 : index
    %get3A_1 = arith.constant 0 : index
    %get3A_2 = vector.load %arg2[%get3A, %get3A_0, %get3A_1] : memref<1x1024x64xf32, #tpu.memory_space<vmem>>, vector<1x1024x64xf32>
    %get3A_3 = vector.shape_cast %get3A_2 : vector<1x1024x64xf32> to vector<1024x64xf32>
    %get3A_4 = arith.constant 0 : index
    %get3A_5 = arith.constant 0 : index
    %get3A_6 = arith.constant 0 : index
    %get3A_7 = vector.load %arg3[%get3A_4, %get3A_5, %get3A_6] : memref<1x2048x64xf32, #tpu.memory_space<vmem>>, vector<1x2048x64xf32>
    %get3A_8 = vector.shape_cast %get3A_7 : vector<1x2048x64xf32> to vector<2048x64xf32>
    %get3A_9 = arith.constant 0 : index
    %get3A_10 = arith.constant 0 : index
    %get3A_11 = arith.constant 0 : index
    %get3A_12 = vector.load %arg4[%get3A_9, %get3A_10, %get3A_11] : memref<1x2048x64xf32, #tpu.memory_space<vmem>>, vector<1x2048x64xf32>
    %get3A_13 = vector.shape_cast %get3A_12 : vector<1x2048x64xf32> to vector<2048x64xf32>
    %dot_general3A = arith.constant dense<0.000000e+00> : vector<1024x2048xf32>
    %dot_general3A_14 = tpu.matmul %get3A_3, %get3A_8, %dot_general3A {dimension_numbers = #tpu.dot_dimension_numbers<[1], [1], [0], [0], [0, 0, 1, 0], [], []>, transpose_lhs_hint = false} : vector<1024x64xf32>, vector<2048x64xf32>, vector<1024x2048xf32> -> vector<1024x2048xf32>
    %mul3A = arith.constant 1.250000e-01 : f32
    %mul3A_15 = vector.broadcast %mul3A : f32 to vector<1024x2048xf32>
    %mul3A_16 = arith.mulf %dot_general3A_14, %mul3A_15 : vector<1024x2048xf32>
    %reduce_max3A = arith.constant dense<0xFF800000> : vector<1024xf32>
    %reduce_max3A_17 = vector.multi_reduction <maximumf>, %mul3A_16, %reduce_max3A [1] : vector<1024x2048xf32> to vector<1024xf32>
    %broadcast_in_dim3A = vector.shape_cast %reduce_max3A_17 : vector<1024xf32> to vector<1024x1xf32>
    %sub3A = vector.broadcast %broadcast_in_dim3A : vector<1024x1xf32> to vector<1024x2048xf32>
    %sub3A_18 = arith.subf %mul3A_16, %sub3A : vector<1024x2048xf32>
    %exp3A = math.exp %sub3A_18 : vector<1024x2048xf32>
    %reduce_sum3A = arith.constant dense<0.000000e+00> : vector<1024xf32>
    %reduce_sum3A_19 = vector.multi_reduction <add>, %exp3A, %reduce_sum3A [1] : vector<1024x2048xf32> to vector<1024xf32>
    %broadcast_in_dim3A_20 = vector.shape_cast %reduce_sum3A_19 : vector<1024xf32> to vector<1024x1xf32>
    %div3A = vector.broadcast %broadcast_in_dim3A_20 : vector<1024x1xf32> to vector<1024x2048xf32>
    %div3A_21 = arith.divf %exp3A, %div3A : vector<1024x2048xf32>
    %dot_general3A_22 = arith.constant dense<0.000000e+00> : vector<1024x64xf32>
    %dot_general3A_23 = tpu.matmul %div3A_21, %get3A_13, %dot_general3A_22 {dimension_numbers = #tpu.dot_dimension_numbers<[1], [0], [0], [1], [0, 0, 1, 1], [], []>, transpose_lhs_hint = false} : vector<1024x2048xf32>, vector<2048x64xf32>, vector<1024x64xf32> -> vector<1024x64xf32>
    %swap3A = arith.constant 0 : index
    %swap3A_24 = arith.constant 0 : index
    %swap3A_25 = arith.constant 0 : index
    %swap3A_26 = vector.load %arg5[%swap3A, %swap3A_24, %swap3A_25] : memref<1x1024x64xf32, #tpu.memory_space<vmem>>, vector<1x1024x64xf32>
    %swap3A_27 = vector.shape_cast %swap3A_26 : vector<1x1024x64xf32> to vector<1024x64xf32>
    %swap3A_28 = vector.shape_cast %dot_general3A_23 : vector<1024x64xf32> to vector<1x1024x64xf32>
    tpu.vector_store %arg5[%swap3A, %swap3A_24, %swap3A_25], %swap3A_28 {strides = array<i32>} : memref<1x1024x64xf32, #tpu.memory_space<vmem>>, vector<1x1024x64xf32>,
    return
  }
  func.func @transform_0(%arg0: i32, %arg1: i32) -> (i32, i32, i32) {
    %c0_i32 = arith.constant 0 : i32
    %c0_i32_0 = arith.constant 0 : i32
    return %arg0, %arg1, %c0_i32 : i32, i32, i32
  }
  func.func @transform_1(%arg0: i32, %arg1: i32) -> (i32, i32, i32) {
    %c0_i32 = arith.constant 0 : i32
    %c0_i32_0 = arith.constant 0 : i32
    %c0_i32_1 = arith.constant 0 : i32
    return %arg0, %c0_i32, %c0_i32_0 : i32, i32, i32
  }
  func.func @transform_2(%arg0: i32, %arg1: i32) -> (i32, i32, i32) {
    %c0_i32 = arith.constant 0 : i32
    %c0_i32_0 = arith.constant 0 : i32
    %c0_i32_1 = arith.constant 0 : i32
    return %arg0, %c0_i32, %c0_i32_0 : i32, i32, i32
  }
  func.func @transform_3(%arg0: i32, %arg1: i32) -> (i32, i32, i32) {
    %c0_i32 = arith.constant 0 : i32
    %c0_i32_0 = arith.constant 0 : i32
    return %arg0, %arg1, %c0_i32 : i32, i32, i32
  }
}

module attributes {stable_mosaic.version = 14 : i64} {
  func.func @_out_kernel(%arg0: i32, %arg1: memref<512x1024xf32, #tpu.memory_space<vmem>>, %arg2: memref<1024x1024xf32, #tpu.memory_space<vmem>>, %arg3: memref<1x1024xf32, #tpu.memory_space<vmem>>, %arg4: memref<64x1024xf32, #tpu.memory_space<vmem>>, %arg5: memref<1x64xf32, #tpu.memory_space<vmem>>, %arg6: memref<512x1024xf32, #tpu.memory_space<vmem>>, %arg7: memref<2x64xf32, #tpu.memory_space<vmem>>, %arg8: memref<2x64xf32, #tpu.memory_space<vmem>>, %arg9: memref<2x64xf32, #tpu.memory_space<vmem>>, %arg10: memref<2x64xf32, #tpu.memory_space<vmem>>) attributes {dimension_semantics = [#tpu.dimension_semantics<arbitrary>], iteration_bounds = array<i64: 8>, scalar_prefetch = 0 : i64, scratch_operands = 2 : i64, tpu.core_type = #tpu.core_type<tc>, window_params = [{transform_indices = @transform_0, window_bounds = array<i64: 512, 1024>}, {pipeline_mode = #tpu.pipeline_mode<synchronous>, transform_indices = @transform_1, window_bounds = array<i64: 1024, 1024>}, {pipeline_mode = #tpu.pipeline_mode<synchronous>, transform_indices = @transform_2, window_bounds = array<i64: 1, 1024>}, {pipeline_mode = #tpu.pipeline_mode<synchronous>, transform_indices = @transform_3, window_bounds = array<i64: 64, 1024>}, {pipeline_mode = #tpu.pipeline_mode<synchronous>, transform_indices = @transform_4, window_bounds = array<i64: 1, 64>}, {transform_indices = @transform_5, window_bounds = array<i64: 512, 1024>}, {pipeline_mode = #tpu.pipeline_mode<synchronous>, transform_indices = @transform_6, window_bounds = array<i64: 2, 64>}, {pipeline_mode = #tpu.pipeline_mode<synchronous>, transform_indices = @transform_7, window_bounds = array<i64: 2, 64>}]} {
    %get3A = arith.constant 0 : index
    %get3A_0 = arith.constant 0 : index
    %get3A_1 = vector.load %arg1[%get3A, %get3A_0] : memref<512x1024xf32, #tpu.memory_space<vmem>>, vector<512x1024xf32>
    %get3A_2 = arith.constant 0 : index
    %get3A_3 = arith.constant 0 : index
    %get3A_4 = vector.load %arg2[%get3A_2, %get3A_3] : memref<1024x1024xf32, #tpu.memory_space<vmem>>, vector<1024x1024xf32>
    %dot_general3A = arith.constant dense<0.000000e+00> : vector<512x1024xf32>
    %dot_general3A_5 = tpu.matmul %get3A_1, %get3A_4, %dot_general3A {dimension_numbers = #tpu.dot_dimension_numbers<[1], [1], [0], [0], [0, 0, 1, 0], [], []>, transpose_lhs_hint = false} : vector<512x1024xf32>, vector<1024x1024xf32>, vector<512x1024xf32> -> vector<512x1024xf32>
    %get3A_6 = arith.constant 0 : index
    %get3A_7 = arith.constant 0 : index
    %get3A_8 = vector.load %arg3[%get3A_6, %get3A_7] : memref<1x1024xf32, #tpu.memory_space<vmem>>, vector<1x1024xf32>
    %add3A = vector.broadcast %get3A_8 : vector<1x1024xf32> to vector<512x1024xf32>
    %add3A_9 = arith.addf %dot_general3A_5, %add3A : vector<512x1024xf32>
    %swap3A = arith.constant 0 : index
    %swap3A_10 = arith.constant 0 : index
    %swap3A_11 = vector.load %arg6[%swap3A, %swap3A_10] : memref<512x1024xf32, #tpu.memory_space<vmem>>, vector<512x1024xf32>
    tpu.vector_store %arg6[%swap3A, %swap3A_10], %add3A_9 {strides = array<i32>} : memref<512x1024xf32, #tpu.memory_space<vmem>>, vector<512x1024xf32>,
    %get3A_12 = arith.constant 0 : index
    %get3A_13 = arith.constant 0 : index
    %get3A_14 = vector.load %arg4[%get3A_12, %get3A_13] : memref<64x1024xf32, #tpu.memory_space<vmem>>, vector<64x1024xf32>
    %dot_general3A_15 = arith.constant dense<0.000000e+00> : vector<512x64xf32>
    %dot_general3A_16 = tpu.matmul %add3A_9, %get3A_14, %dot_general3A_15 {dimension_numbers = #tpu.dot_dimension_numbers<[1], [1], [0], [0], [0, 0, 1, 0], [], []>, transpose_lhs_hint = false} : vector<512x1024xf32>, vector<64x1024xf32>, vector<512x64xf32> -> vector<512x64xf32>
    %get3A_17 = arith.constant 0 : index
    %get3A_18 = arith.constant 0 : index
    %get3A_19 = vector.load %arg5[%get3A_17, %get3A_18] : memref<1x64xf32, #tpu.memory_space<vmem>>, vector<1x64xf32>
    %add3A_20 = vector.broadcast %get3A_19 : vector<1x64xf32> to vector<512x64xf32>
    %add3A_21 = arith.addf %dot_general3A_16, %add3A_20 : vector<512x64xf32>
    %reduce_sum3A = arith.constant dense<0.000000e+00> : vector<64xf32>
    %reduce_sum3A_22 = vector.multi_reduction <add>, %add3A_21, %reduce_sum3A [0] : vector<512x64xf32> to vector<64xf32>
    %broadcast_in_dim3A = vector.shape_cast %reduce_sum3A_22 : vector<64xf32> to vector<1x64xf32>
    %reduce_max3A = arith.constant dense<0xFF800000> : vector<64xf32>
    %reduce_max3A_23 = vector.multi_reduction <maximumf>, %add3A_21, %reduce_max3A [0] : vector<512x64xf32> to vector<64xf32>
    %broadcast_in_dim3A_24 = vector.shape_cast %reduce_max3A_23 : vector<64xf32> to vector<1x64xf32>
    %jit3A = arith.constant 4 : i32
    %div3A = arith.divsi %arg0, %jit3A : i32
    %sign3A = arith.constant 0 : i32
    %sign3A_25 = arith.cmpi sgt, %arg0, %sign3A : i32
    %sign3A_26 = arith.extui %sign3A_25 : i1 to i32
    %sign3A_27 = arith.constant 0 : i32
    %sign3A_28 = arith.cmpi slt, %arg0, %sign3A_27 : i32
    %sign3A_29 = arith.extui %sign3A_28 : i1 to i32
    %sign3A_30 = arith.subi %sign3A_26, %sign3A_29 : i32
    %sign3A_31 = arith.constant 0 : i32
    %sign3A_32 = arith.cmpi sgt, %jit3A, %sign3A_31 : i32
    %sign3A_33 = arith.extui %sign3A_32 : i1 to i32
    %sign3A_34 = arith.constant 0 : i32
    %sign3A_35 = arith.cmpi slt, %jit3A, %sign3A_34 : i32
    %sign3A_36 = arith.extui %sign3A_35 : i1 to i32
    %sign3A_37 = arith.subi %sign3A_33, %sign3A_36 : i32
    %ne3A = arith.cmpi ne, %sign3A_30, %sign3A_37 : i32
    %rem3A = arith.remsi %arg0, %jit3A : i32
    %ne3A_38 = arith.constant 0 : i32
    %ne3A_39 = arith.cmpi ne, %rem3A, %ne3A_38 : i32
    %and3A = arith.andi %ne3A, %ne3A_39 : i1
    %sub3A = arith.constant 1 : i32
    %sub3A_40 = arith.subi %div3A, %sub3A : i32
    %select_n3A = arith.select %and3A, %sub3A_40, %div3A : i32
    %iota3A = tpu.iota {dimensions = array<i32: 0>} : vector<2x1xi32>
    %eq3A = vector.broadcast %select_n3A : i32 to vector<2x1xi32>
    %eq3A_41 = arith.cmpi eq, %iota3A, %eq3A : vector<2x1xi32>
    %eq3A_42 = arith.constant 0 : i32
    %eq3A_43 = arith.cmpi eq, %arg0, %eq3A_42 : i32
    %convert_element_type3A = arith.extui %eq3A_43 : i1 to i32
    %cond3A = arith.constant 0 : i32
    %cond3A_44 = arith.cmpi ne, %convert_element_type3A, %cond3A : i32
    scf.if %cond3A_44 {
      %broadcast_in_dim3A_77 = arith.constant 0.000000e+00 : f32
      %broadcast_in_dim3A_78 = vector.broadcast %broadcast_in_dim3A_77 : f32 to vector<2x64xf32>
      %swap3A_79 = arith.constant 0 : index
      %swap3A_80 = arith.constant 0 : index
      %swap3A_81 = vector.load %arg9[%swap3A_79, %swap3A_80] : memref<2x64xf32, #tpu.memory_space<vmem>>, vector<2x64xf32>
      tpu.vector_store %arg9[%swap3A_79, %swap3A_80], %broadcast_in_dim3A_78 {strides = array<i32>} : memref<2x64xf32, #tpu.memory_space<vmem>>, vector<2x64xf32>,
      %broadcast_in_dim3A_82 = arith.constant 0xFF800000 : f32
      %broadcast_in_dim3A_83 = vector.broadcast %broadcast_in_dim3A_82 : f32 to vector<2x64xf32>
      %swap3A_84 = arith.constant 0 : index
      %swap3A_85 = arith.constant 0 : index
      %swap3A_86 = vector.load %arg10[%swap3A_84, %swap3A_85] : memref<2x64xf32, #tpu.memory_space<vmem>>, vector<2x64xf32>
      tpu.vector_store %arg10[%swap3A_84, %swap3A_85], %broadcast_in_dim3A_83 {strides = array<i32>} : memref<2x64xf32, #tpu.memory_space<vmem>>, vector<2x64xf32>,
    } else {
    }
    %get3A_45 = arith.constant 0 : index
    %get3A_46 = arith.constant 0 : index
    %get3A_47 = vector.load %arg9[%get3A_45, %get3A_46] : memref<2x64xf32, #tpu.memory_space<vmem>>, vector<2x64xf32>
    %jit3A_48 = arith.constant 0.000000e+00 : f32
    %broadcast_in_dim3A_49 = vector.shape_cast %eq3A_41 : vector<2x1xi1> to vector<2x1xi1>
    %broadcast_in_dim3A_50 = vector.broadcast %broadcast_in_dim3A_49 : vector<2x1xi1> to vector<2x64xi1>
    %broadcast_in_dim3A_51 = vector.shape_cast %broadcast_in_dim3A : vector<1x64xf32> to vector<1x64xf32>
    %broadcast_in_dim3A_52 = vector.broadcast %broadcast_in_dim3A_51 : vector<1x64xf32> to vector<2x64xf32>
    %broadcast_in_dim3A_53 = vector.broadcast %jit3A_48 : f32 to vector<2x64xf32>
    %select_n3A_54 = arith.select %broadcast_in_dim3A_50, %broadcast_in_dim3A_52, %broadcast_in_dim3A_53 : vector<2x64xi1>, vector<2x64xf32>
    %add3A_55 = arith.addf %get3A_47, %select_n3A_54 : vector<2x64xf32>
    %swap3A_56 = arith.constant 0 : index
    %swap3A_57 = arith.constant 0 : index
    %swap3A_58 = vector.load %arg9[%swap3A_56, %swap3A_57] : memref<2x64xf32, #tpu.memory_space<vmem>>, vector<2x64xf32>
    tpu.vector_store %arg9[%swap3A_56, %swap3A_57], %add3A_55 {strides = array<i32>} : memref<2x64xf32, #tpu.memory_space<vmem>>, vector<2x64xf32>,
    %get3A_59 = arith.constant 0 : index
    %get3A_60 = arith.constant 0 : index
    %get3A_61 = vector.load %arg10[%get3A_59, %get3A_60] : memref<2x64xf32, #tpu.memory_space<vmem>>, vector<2x64xf32>
    %jit3A_62 = arith.constant 0xFF800000 : f32
    %broadcast_in_dim3A_63 = vector.shape_cast %eq3A_41 : vector<2x1xi1> to vector<2x1xi1>
    %broadcast_in_dim3A_64 = vector.broadcast %broadcast_in_dim3A_63 : vector<2x1xi1> to vector<2x64xi1>
    %broadcast_in_dim3A_65 = vector.shape_cast %broadcast_in_dim3A_24 : vector<1x64xf32> to vector<1x64xf32>
    %broadcast_in_dim3A_66 = vector.broadcast %broadcast_in_dim3A_65 : vector<1x64xf32> to vector<2x64xf32>
    %broadcast_in_dim3A_67 = vector.broadcast %jit3A_62 : f32 to vector<2x64xf32>
    %select_n3A_68 = arith.select %broadcast_in_dim3A_64, %broadcast_in_dim3A_66, %broadcast_in_dim3A_67 : vector<2x64xi1>, vector<2x64xf32>
    %max3A = arith.maximumf %get3A_61, %select_n3A_68 : vector<2x64xf32>
    %swap3A_69 = arith.constant 0 : index
    %swap3A_70 = arith.constant 0 : index
    %swap3A_71 = vector.load %arg10[%swap3A_69, %swap3A_70] : memref<2x64xf32, #tpu.memory_space<vmem>>, vector<2x64xf32>
    tpu.vector_store %arg10[%swap3A_69, %swap3A_70], %max3A {strides = array<i32>} : memref<2x64xf32, #tpu.memory_space<vmem>>, vector<2x64xf32>,
    %eq3A_72 = arith.constant 7 : i32
    %eq3A_73 = arith.cmpi eq, %arg0, %eq3A_72 : i32
    %convert_element_type3A_74 = arith.extui %eq3A_73 : i1 to i32
    %cond3A_75 = arith.constant 0 : i32
    %cond3A_76 = arith.cmpi ne, %convert_element_type3A_74, %cond3A_75 : i32
    scf.if %cond3A_76 {
      %get3A_77 = arith.constant 0 : index
      %get3A_78 = arith.constant 0 : index
      %get3A_79 = vector.load %arg9[%get3A_77, %get3A_78] : memref<2x64xf32, #tpu.memory_space<vmem>>, vector<2x64xf32>
      %get3A_80 = arith.constant 0 : index
      %get3A_81 = arith.constant 0 : index
      %get3A_82 = vector.load %arg10[%get3A_80, %get3A_81] : memref<2x64xf32, #tpu.memory_space<vmem>>, vector<2x64xf32>
      %mul3A = arith.constant 4.8828125E-4 : f32
      %mul3A_83 = vector.broadcast %mul3A : f32 to vector<2x64xf32>
      %mul3A_84 = arith.mulf %get3A_79, %mul3A_83 : vector<2x64xf32>
      %mul3A_85 = arith.constant 5.000000e-01 : f32
      %mul3A_86 = vector.broadcast %mul3A_85 : f32 to vector<2x64xf32>
      %mul3A_87 = arith.mulf %mul3A_86, %mul3A_84 : vector<2x64xf32>
      %mul3A_88 = arith.constant 3.000000e-01 : f32
      %mul3A_89 = vector.broadcast %mul3A_88 : f32 to vector<2x64xf32>
      %mul3A_90 = arith.mulf %mul3A_89, %get3A_82 : vector<2x64xf32>
      %add3A_91 = arith.addf %mul3A_87, %mul3A_90 : vector<2x64xf32>
      %mul3A_92 = arith.constant 4.8828125E-4 : f32
      %mul3A_93 = vector.broadcast %mul3A_92 : f32 to vector<2x64xf32>
      %mul3A_94 = arith.mulf %get3A_79, %mul3A_93 : vector<2x64xf32>
      %mul3A_95 = arith.constant 2.000000e-01 : f32
      %mul3A_96 = vector.broadcast %mul3A_95 : f32 to vector<2x64xf32>
      %mul3A_97 = arith.mulf %mul3A_96, %mul3A_94 : vector<2x64xf32>
      %add3A_98 = arith.addf %add3A_91, %mul3A_97 : vector<2x64xf32>
      %reduce_max3A_99 = arith.constant dense<0xFF800000> : vector<2xf32>
      %reduce_max3A_100 = vector.multi_reduction <maximumf>, %add3A_98, %reduce_max3A_99 [1] : vector<2x64xf32> to vector<2xf32>
      %broadcast_in_dim3A_101 = vector.shape_cast %reduce_max3A_100 : vector<2xf32> to vector<2x1xf32>
      %sub3A_102 = vector.broadcast %broadcast_in_dim3A_101 : vector<2x1xf32> to vector<2x64xf32>
      %sub3A_103 = arith.subf %add3A_98, %sub3A_102 : vector<2x64xf32>
      %exp3A = math.exp %sub3A_103 : vector<2x64xf32>
      %reduce_sum3A_104 = arith.constant dense<0.000000e+00> : vector<2xf32>
      %reduce_sum3A_105 = vector.multi_reduction <add>, %exp3A, %reduce_sum3A_104 [1] : vector<2x64xf32> to vector<2xf32>
      %broadcast_in_dim3A_106 = vector.shape_cast %reduce_sum3A_105 : vector<2xf32> to vector<2x1xf32>
      %div3A_107 = vector.broadcast %broadcast_in_dim3A_106 : vector<2x1xf32> to vector<2x64xf32>
      %div3A_108 = arith.divf %exp3A, %div3A_107 : vector<2x64xf32>
      %swap3A_109 = arith.constant 0 : index
      %swap3A_110 = arith.constant 0 : index
      %swap3A_111 = vector.load %arg7[%swap3A_109, %swap3A_110] : memref<2x64xf32, #tpu.memory_space<vmem>>, vector<2x64xf32>
      tpu.vector_store %arg7[%swap3A_109, %swap3A_110], %add3A_98 {strides = array<i32>} : memref<2x64xf32, #tpu.memory_space<vmem>>, vector<2x64xf32>,
      %swap3A_112 = arith.constant 0 : index
      %swap3A_113 = arith.constant 0 : index
      %swap3A_114 = vector.load %arg8[%swap3A_112, %swap3A_113] : memref<2x64xf32, #tpu.memory_space<vmem>>, vector<2x64xf32>
      tpu.vector_store %arg8[%swap3A_112, %swap3A_113], %div3A_108 {strides = array<i32>} : memref<2x64xf32, #tpu.memory_space<vmem>>, vector<2x64xf32>,
    } else {
    }
    return
  }
  func.func @transform_0(%arg0: i32) -> (i32, i32) {
    %c0_i32 = arith.constant 0 : i32
    %c0_i32_0 = arith.constant 0 : i32
    return %arg0, %c0_i32 : i32, i32
  }
  func.func @transform_1(%arg0: i32) -> (i32, i32) {
    %c0_i32 = arith.constant 0 : i32
    %c0_i32_0 = arith.constant 0 : i32
    %c0_i32_1 = arith.constant 0 : i32
    return %c0_i32, %c0_i32_0 : i32, i32
  }
  func.func @transform_2(%arg0: i32) -> (i32, i32) {
    %c0_i32 = arith.constant 0 : i32
    %c0_i32_0 = arith.constant 0 : i32
    %c0_i32_1 = arith.constant 0 : i32
    return %c0_i32, %c0_i32_0 : i32, i32
  }
  func.func @transform_3(%arg0: i32) -> (i32, i32) {
    %c0_i32 = arith.constant 0 : i32
    %c0_i32_0 = arith.constant 0 : i32
    %c0_i32_1 = arith.constant 0 : i32
    return %c0_i32, %c0_i32_0 : i32, i32
  }
  func.func @transform_4(%arg0: i32) -> (i32, i32) {
    %c0_i32 = arith.constant 0 : i32
    %c0_i32_0 = arith.constant 0 : i32
    %c0_i32_1 = arith.constant 0 : i32
    return %c0_i32, %c0_i32_0 : i32, i32
  }
  func.func @transform_5(%arg0: i32) -> (i32, i32) {
    %c0_i32 = arith.constant 0 : i32
    %c0_i32_0 = arith.constant 0 : i32
    return %arg0, %c0_i32 : i32, i32
  }
  func.func @transform_6(%arg0: i32) -> (i32, i32) {
    %c0_i32 = arith.constant 0 : i32
    %c0_i32_0 = arith.constant 0 : i32
    %c0_i32_1 = arith.constant 0 : i32
    return %c0_i32, %c0_i32_0 : i32, i32
  }
  func.func @transform_7(%arg0: i32) -> (i32, i32) {
    %c0_i32 = arith.constant 0 : i32
    %c0_i32_0 = arith.constant 0 : i32
    %c0_i32_1 = arith.constant 0 : i32
    return %c0_i32, %c0_i32_0 : i32, i32
  }
}

</mosaic_0001>

<sc_bundles>
// kernel: kernel.6.cloned.1.call-start
scs
__scs_entry_jumppad:
0x0: {  	(pc) =	sbr.rel $0x88, $3  }
0x1: {  	(tag) =	ssettag $0x0;
	lr =	simm.s32 $0x1  }
0x2: {  	[smem:$0x3F9A] =	sst lr;
	_ =	strace $0xD0000000  }
0x3: {  	_ = 	snop  }
0x4: {  	_ = 	snop  }
0x5: {  	_ = 	snop  }
0x6: {  	_ = 	snop  }
0x7: {  	_ = 	snop  }
__scs_overlays_trampoline_lowered:
0x8: {  	[smem:$0x3FA9] =	sst s0  }
0x9: {  	[smem:$0x3FAA] =	sst s1  }
0xa: {  	[smem:$0x3FAB] =	sst s2  }
0xb: {  	[smem:$0x3FAC] =	sst s3  }
0xc: {  	[smem:$0x3FAD] =	sst s4  }
0xd: {  	[smem:$0x3FAE] =	sst s5  }
0xe: {  	[smem:$0x3FAF] =	sst s6  }
0xf: {  	[smem:$0x3FB0] =	sst s7  }
0x10: {  	[smem:$0x3FB1] =	sst s8  }
0x11: {  	[smem:$0x3FB2] =	sst s9;
	s0 =	simm.s32 @!p0 $0x0  }
0x12: {  	s1 =	sld [smem:$0x3F98];
	s0 =	simm.s32 @p0 $0x1  }
0x13: {  	[smem:$0x3FB3] =	sst s0;
	s0 =	simm.s32 @!p1 $0x0  }
0x14: {  	s2 =	sld [smem:$0x3F97];
	s0 =	simm.s32 @p1 $0x1  }
0x15: {  	[smem:$0x3FB4] =	sst s0;
	s0 =	simm.s32 @!p2 $0x0  }
0x16: {  	s3 =	sld [smem:$0x3FDB];
	s0 =	simm.s32 @p2 $0x1  }
0x17: {  	s4 =	simm.s32 $0x1BF5;
	[smem:$0x3FB6] =	sst s0  }
0x18: {  	s0 =	sld [smem:$0x3F99];
	_ =	swait.ge [sflag:s4], $0x0  }
0x19: {  	s7 =	sld [smem:$0x3F9A]  }
0x1a: {  	s8 =	sadd.s32 $0xFFFFE003, lr  }
0x1b: {  	s9 =	sadd.s32 $0xFFFFFEF7, lr;
	s5 =	simm.s32 $0xFFFFFFFF;
	p2 =	slt.u32 s8, $0xFFFFF086  }
0x1c: {  	p1 =	slt.u32 s9, $0xF7A;
	s5 =	simm.s32 @!p2 $0x0  }
0x1d: {  	s5 =	simm.s32 @p1 $0x1;
	p0 =	seq.s32 s7, s2  }
0x1e: {  	s7 =	smul.u32 @!p0 $0xF7A, s2;
	p2 =	seq.s32 @!p0 s5, $0x0  }
0x1f: {  	s9 =	smul.u32 $0xF7A, s1;
	s8 =	simm.s32 @!p0 $0x1BF5;
	p2 =	por !p2, p0  }
0x20: {  	[sflag:s8] =	ssyncset.s32 @!p0 $0xFFFFF086;
	s6 =	sadd.s32 @!p0 s3, s7;
	s7 =	simm.s32 @!p0 $0x108  }
0x21: {  	s3 =	sadd.s32 s3, s9;
	s6 =	sadd.s32 @!p0 $0x88, s6;
	s7 =	simm.s32 @p2 $0x1082  }
0x22: {  	[simem:s7], [sflag:s8] =	dma.local @!p0 [hbm:s6], $0xF7A  }
0x23: {  	s9 =	sor.u32 $0xD0000000, s2;
	s6 =	simm.s32 $0x108;
	_ =	swait.ge @!p0 [sflag:s8], $0x0  }
0x24: {  	s3 =	sadd.s32 $0x88, s3;
	s6 =	simm.s32 @!p1 $0x1082;
	[sflag:s4] =	ssyncset.s32 $0xFFFFF086  }
0x25: {  	[simem:s6], [sflag:s4] =	dma.local [hbm:s3], $0xF7A  }
0x26: {  	[smem:$0x3F9A] =	sst s1;
	(tag) =	ssettag s2;
	_ =	strace s9  }
0x27: {  	s1 =	sld [smem:$0x3FAA]  }
0x28: {  	s2 =	sld [smem:$0x3FAB]  }
0x29: {  	s4 =	sld [smem:$0x3FAD]  }
0x2a: {  	p0 =	seq.s32 s5, $0x0;
	s5 =	sld [smem:$0x3FAE]  }
0x2b: {  	s6 =	sld [smem:$0x3FAF]  }
0x2c: {  	s7 =	sld [smem:$0x3FB0]  }
0x2d: {  	s3 =	simm.s32 $0x108;
	s8 =	sld [smem:$0x3FB1]  }
0x2e: {  	s3 =	simm.s32 @!p0 $0x1082;
	s9 =	sld [smem:$0x3FB2]  }
0x2f: {  	lr =	sadd.s32 s0, s3;
	s0 =	sld [smem:$0x3FA9]  }
0x30: {  	s3 =	sld [smem:$0x3FAC]  }
0x31: {  	[smem:$0x3FB5] =	sst s10  }
0x32: {  	s10 =	sld [smem:$0x3FB3];
	_ =	sdelay $0x3  }
0x33: {  	p0 =	seq.s32 s10, $0x1;
	s10 =	sld [smem:$0x3FB5];
	_ =	sdelay $0x3  }
0x34: {  	[smem:$0x3FB5] =	sst s10  }
0x35: {  	s10 =	sld [smem:$0x3FB4];
	_ =	sdelay $0x3  }
0x36: {  	p1 =	seq.s32 s10, $0x1;
	s10 =	sld [smem:$0x3FB5];
	_ =	sdelay $0x3  }
0x37: {  	[smem:$0x3FB5] =	sst s10  }
0x38: {  	s10 =	sld [smem:$0x3FB6]  }
0x39: {  	_ = 	snop;
	(pc) =	sbr.ind lr, $3  }
0x3a: {  	_ = 	snop  }
0x3b: {  	_ = 	snop  }
0x3c: {  	p2 =	seq.s32 s10, $0x1;
	s10 =	sld [smem:$0x3FB5]  }
0x3d: {  	_ =	shalt  }
0x3e: {  	_ =	shalt  }
0x3f: {  	_ =	shalt  }
0x40: {  	_ =	shalt  }
0x41: {  	_ =	shalt  }
0x42: {  	_ =	shalt  }
0x43: {  	_ =	shalt  }
0x44: {  	_ =	shalt  }
0x45: {  	_ =	shalt  }
0x46: {  	_ =	shalt  }
0x47: {  	_ =	shalt  }
0x48: {  	_ =	shalt  }
0x49: {  	_ =	shalt  }
0x4a: {  	_ =	shalt  }
0x4b: {  	_ =	shalt  }
0x4c: {  	_ =	shalt  }
0x4d: {  	_ =	shalt  }
0x4e: {  	_ =	shalt  }
0x4f: {  	_ =	shalt  }
0x50: {  	_ =	shalt  }
0x51: {  	_ =	shalt  }
0x52: {  	_ =	shalt  }
0x53: {  	_ =	shalt  }
0x54: {  	_ =	shalt  }
0x55: {  	_ =	shalt  }
0x56: {  	_ =	shalt  }
0x57: {  	_ =	shalt  }
0x58: {  	_ =	shalt  }
0x59: {  	_ =	shalt  }
0x5a: {  	_ =	shalt  }
0x5b: {  	_ =	shalt  }
0x5c: {  	_ =	shalt  }
0x5d: {  	_ =	shalt  }
0x5e: {  	_ =	shalt  }
0x5f: {  	_ =	shalt  }
0x60: {  	_ =	shalt  }
0x61: {  	_ =	shalt  }
0x62: {  	_ =	shalt  }
0x63: {  	_ =	shalt  }
0x64: {  	_ =	shalt  }
0x65: {  	_ =	shalt  }
0x66: {  	_ =	shalt  }
0x67: {  	_ =	shalt  }
0x68: {  	_ =	shalt  }
0x69: {  	_ =	shalt  }
0x6a: {  	_ =	shalt  }
0x6b: {  	_ =	shalt  }
0x6c: {  	_ =	shalt  }
0x6d: {  	_ =	shalt  }
0x6e: {  	_ =	shalt  }
0x6f: {  	_ =	shalt  }
0x70: {  	_ =	shalt  }
0x71: {  	_ =	shalt  }
0x72: {  	_ =	shalt  }
0x73: {  	_ =	shalt  }
0x74: {  	_ =	shalt  }
0x75: {  	_ =	shalt  }
0x76: {  	_ =	shalt  }
0x77: {  	_ =	shalt  }
0x78: {  	_ =	shalt  }
0x79: {  	_ =	shalt  }
0x7a: {  	_ =	shalt  }
0x7b: {  	_ =	shalt  }
0x7c: {  	_ =	shalt  }
0x7d: {  	_ =	shalt  }
0x7e: {  	_ =	shalt  }
0x7f: {  	_ =	shalt  }
0x80: {  	_ =	shalt  }
0x81: {  	_ =	shalt  }
0x82: {  	_ =	shalt  }
0x83: {  	_ =	shalt  }
0x84: {  	_ =	shalt  }
0x85: {  	_ =	shalt  }
0x86: {  	_ =	shalt  }
0x87: {  	_ =	shalt  }
.Lfunc_end0:
.L_simem_size_0:
called_computation_lowered:
.L_overlay_start_0:
0x88: {  	s2 =	sld [smem:$0x3FD9]  }
0x89: {  	s3 =	sld [smem:$0x3FFE];
	_ =	sdelay $0x1  }
0x8a: {  	s1 =	srdreg.scid  }
0x8b: {  	s0 =	sand.u32 $0x1, s1  }
0x8c: {  	s14 =	sshll.u32 s0, $0xA;
	s2 =	sadd.s32 s3, s2  }
0x8d: {  	s2 =	sadd.s32 s2, s14  }
0x8e: {  	[smem:$0x3FC1] =	sst s2  }
0x8f: {  	_ = 	snop  }
0x90: {  	s2 =	sld [smem:$0x3FD0];
	_ =	sdelay $0x2  }
0x91: {  	s15 =	simm.s32 $0xA;
	s4 =	simm.s32 $0x10  }
0x92: {  	[smem:s4], [sflag:s15] =	dma.local [hbm:s2], $0x1  }
0x93: {  	_ =	swait.eq [sflag:s15], $0x1  }
0x94: {  	[sflag:s15] =	ssyncset.done $0x0  }
0x95: {  	s16 =	sld [smem:$0x10];
	[sflag:s15] =	ssyncadd.s32 $0xFFFFFFFF  }
0x96: {  	s17 =	sld [smem:$0x11];
	(tm) =	ssettm $0x1  }
0x97: {  	s18 =	sld [smem:$0x3FFB];
	_ =	sdelay $0x3  }
0x98: {  	_ =	strace s18  }
0x99: {  	s4 =	sld [smem:$0x3FFC];
	_ =	sdelay $0x3  }
0x9a: {  	_ =	strace s4  }
0x9b: {  	s4 =	sld [smem:$0x3FFD];
	_ =	sdelay $0x3  }
0x9c: {  	_ =	strace s4  }
0x9d: {  	_ =	strace $0x8FFFFFFF  }
0x9e: {  	s19 =	sld [smem:$0x3FDB];
	_ =	sdelay $0x1  }
0x9f: {  	s5 =	simm.s32 $_scs_section_size  }
0xa0: {  	s6 =	simm.s32 $_size__tile_overlayer_lowered;
	s7 =	simm.s32 $_tile_overlayer_lowered  }
0xa1: {  	s22 =	simm.s32 $0x1BFF;
	s21 =	sshll.u32 s7, $0x1;
	s4 =	sadd.s32 s5, s19  }
0xa2: {  	s8 =	simm.s32 $0x0;
	s20 =	sshll.u32 s6, $0x1;
	s6 =	sadd.s32 s21, s4  }
0xa3: {  	[timem:s8], [sflag:s22] =	dma.local [hbm:s6], s20  }
0xa4: {  	_ =	swait.ge [sflag:s22], s20  }
0xa5: {  	s5 =	ssub.s32 $0x0, s20;
	[sflag:s22] =	ssyncset.done $0x0  }
0xa6: {  	[sflag:s22] =	ssyncadd.s32 s5;
	_ =	sdelay $0x1  }
0xa7: {  	s23 =	simm.s32 $0x1B8B  }
0xa8: {  	_ =	swait.ge [sflag:s23], $0x1  }
0xa9: {  	[sflag:s23] =	ssyncset.done $0x0  }
0xaa: {  	s25 =	simm.s32 $0x1B8E;
	s24 =	sld [smem:$0x3FFE];
	[sflag:s23] =	ssyncadd.s32 $0xFFFFFFFF  }
0xab: {  	s26 =	simm.s32 $execute0_lowered;
	[smem:$0x3FD2] =	sst s25  }
0xac: {  	s6 =	sshll.u32 s26, $0x1;
	_ =	strace $0x80000046;
	[dreg:$0x1] =	wrdreg $0xFFFFFFFF  }
0xad: {  	s28 =	simm.s32 $_size_execute0_lowered;
	s4 =	sadd.s32 s4, s6;
	[dreg:$0x0] =	wrdreg $0x0  }
0xae: {  	s6 =	sshll.u32 s28, $0x1;
	[dreg:$0x2] =	wrdreg s4  }
0xaf: {  	[dreg:$0x3] =	wrdreg s6  }
0xb0: {  	[dreg:$0x4] =	wrdreg $0xC0  }
0xb1: {  	_ =	task [dreg:s8], $0x5FFFF  }
0xb2: {  	[dreg:$0x1] =	wrdreg $0xFFFFFFFF  }
0xb3: {  	[dreg:$0x0] =	wrdreg $0x60  }
0xb4: {  	[dreg:$0x2] =	wrdreg s17  }
0xb5: {  	[dreg:$0x3] =	wrdreg s16  }
0xb6: {  	[dreg:$0x4] =	wrdreg s24  }
0xb7: {  	[dreg:$0x5] =	wrdreg $0x9  }
0xb8: {  	_ =	task.clear_ibuf [dreg:s8], $0x6FFFF;
	_ =	strace $0x90000046  }
0xb9: {  	s29 =	simm.s32 $0x9;
	_ =	strace $0x80000048  }
0xba: {  	_ =	swait.ge [sflag:s29], $0x1  }
0xbb: {  	[sflag:s29] =	ssyncadd.s32 $0xFFFFFFFF  }
0xbc: {  	_ =	strace $0x90000048  }
0xbd: {  	_ =	sfence  }
0xbe: {  	s30 =	sld [smem:$0x0];
	_ =	sdelay $0x2  }
0xbf: {  	s31 =	sshll.u32 s1, $0xD;
	s1 =	sshrl.u32 s1, $0x2  }
0xc0: {  	s3 =	sand.u32 $0x4000, s31;
	s1 =	sadd.s32 s1, s30  }
0xc1: {  	s0 =	sor.u32 s3, s0;
	s1 =	sshll.u32 s1, $0x11  }
0xc2: {  	s0 =	sor.u32 s1, s0  }
0xc3: {  	s0 =	sadd.s32 $0x8F2B, s0  }
0xc4: {  	[sflag:s0] =	ssyncadd.remote.s32 $0x1  }
0xc5: {  	_ =	sfence.sel $0xFFFF  }
0xc6: {  	[dreg:$0x0] =	wrdreg $0xFFFFFFFF;
	(pc) =	sbr.abs _section_cstart, $3  }
0xc7: {  	[dreg:$0x1] =	wrdreg $0xFFFFFFFF  }
0xc8: {  	_ =	task.clear_ibuf [dreg:s8], $0x2FFFF;
	_ =	strace $0x9FFFFFFF  }
0xc9: {  	(tm) =	ssettm $0x7FFFFFFF  }
tec
execute0_lowered:
.L_overlay_start_1:
0x0: {  	(tag) =	ssettag $0x1  }
0x1: {  	s0 =	srdreg.scid  }
0x2: {  	s1 =	stileid.u32;
	s14 =	sand.u32 $0x1, s0  }
0x3: {  	s5 =	sor.u32 s1, s14  }
0x4: {  	p0 =	sne.s32 s5, $0x0  }
.Ltmp0:
0x5: {  	s3 =	rddreg [dreg:$0x0];
	(pc) =	sbr.rel @p0 .LBB2_4-.Ltmp0, $4  }
0x6: {  	s4 =	rddreg [dreg:$0x1]  }
0x7: {  	s13 =	rddreg [dreg:$0x2];
	s2 =	simm.s32 $0x0  }
0x8: {  	[smem:$0x7FF] =	sst s2  }
0x9: {  	s0 =	rddreg [dreg:$0x3];
	_ =	strace $0x80000047  }
0xa: {  	s5 =	simm.s32 $0x1  }
0xb: {  	[tilespmem:s2], [sflag:$0x1] =	stream.linear.gather [hbm4b:s3+s2], $0x40, $0x38;
	[tilespmem:$0x200] =	vst v63  }
0xc: {  	_ =	swait.ge [sflag:s5], $0x40  }
0xd: {  	[sflag:s5] =	ssyncset.done $0x0  }
0xe: {  	s6 =	simm.s32 $0x80;
	[sflag:s5] =	ssyncadd.s32 $0xFFFFFFC0  }
0xf: {  	[tilespmem:s6], [sflag:$0x1] =	stream.linear.gather [hbm4b:s4+s2], $0x40, $0x38;
	[tilespmem:$0x200] =	vst v63  }
0x10: {  	_ =	swait.ge [sflag:s5], $0x40  }
0x11: {  	[sflag:s5] =	ssyncset.done $0x0  }
0x12: {  	[sflag:s5] =	ssyncadd.s32 $0xFFFFFFC0  }
0x13: {  	v3 =	vld [tilespmem:$0x30]  }
0x14: {  	v4 =	vld [tilespmem:$0x10]  }
0x15: {  	v5 =	vld [tilespmem:$0x20]  }
0x16: {  	v0 =	vlaneseq.u32  }
0x17: {  	v1 =	vor.u32 $0x30, v0;
	v6 =	vld [tilespmem:$0x0]  }
0x18: {  	v2 =	vor.u32 $0x10, v0;
	(xrf1) =	vsort.dscd.msk.f32 $0xffff, v3, v1  }
0x19: {  	v3 =	vor.u32 $0x20, v0;
	(xrf1) =	vsort.dscd.msk.f32 $0xffff, v4, v2  }
0x1a: {  	(xrf1) =	vsort.dscd.msk.f32 $0xffff, v5, v3;
	_ =	sdelay $0x1  }
0x1b: {  	(xrf1) =	vsort.dscd.msk.f32 $0xffff, v6, v0;
	_ =	sdelay $0x7  }
0x1c: {  	v4 =	vmul.u32 $0xFFFFFFFF, v0;
	_ =	sdelay $0x1  }
0x1d: {  	v4 =	vadd.s32 $0xF, v4;
	v5, v6, _ =	vpop (xrf1)  }
0x1e: {  	v5 =	vperm.xlane v5, v4;
	v6 =	vperm.xlane v6, v4;
	v7, v8, _ =	vpop (xrf1)  }
0x1f: {  	vm0 =	vmmov $0xff;
	v7 =	vperm.xlane v7, v4;
	v9, v10, _ =	vpop (xrf1)  }
0x20: {  	v8 =	vperm.xlane v8, v4;
	v5 =	vsel vm0, v9, v5;
	v6 =	vsel vm0, v10, v6  }
0x21: {  	v9, v10, _ =	vpop (xrf1);
	(xrf1) =	vsort.dscd.msk.f32 $0xffff, v5, v6  }
0x22: {  	v5 =	vsel vm0, v9, v7;
	v6 =	vsel vm0, v10, v8  }
0x23: {  	(xrf1) =	vsort.dscd.msk.f32 $0xffff, v5, v6;
	_ =	sdelay $0xb  }
0x24: {  	v5, v6, _ =	vpop (xrf1)  }
0x25: {  	v5 =	vperm.xlane v5, v4;
	v6 =	vperm.xlane v6, v4  }
0x26: {  	v7, v8, _ =	vpop (xrf1)  }
0x27: {  	v5 =	vsel vm0, v7, v5;
	v6 =	vsel vm0, v8, v6  }
0x28: {  	(xrf1) =	vsort.dscd.msk.f32 $0xffff, v5, v6;
	_ =	sdelay $0xd  }
0x29: {  	v5, v6, _ =	vpop (xrf1)  }
0x2a: {  	v5 =	vnsel vm0, $0x7F800000, v5  }
0x2b: {  	(xrf0) =	vmin.scan.msk.f32 $0xffff, v5;
	_ =	sdelay $0x1  }
0x2c: {  	v11 =	vld [tilespmem:$0x90]  }
0x2d: {  	v13 =	vld [tilespmem:$0xB0]  }
0x2e: {  	v8 =	vld [tilespmem:$0x10]  }
0x2f: {  	v10 =	vld [tilespmem:$0x30]  }
0x30: {  	v7 =	vld [tilespmem:$0x20];
	v5, _, _ =	vpop (xrf0)  }
0x31: {  	v9 =	vld [tilespmem:$0x0];
	v12 =	vbroadcast v5, $0xF  }
0x32: {  	v14 =	vld [tilespmem:$0xA0]  }
0x33: {  	v15 =	vld [tilespmem:$0x80];
	v5 =	vimm.f32 $0.0e+00;
	vm1 =	vge.f32 v8, v12  }
0x34: {  	v8 =	vsel vm1, $0x3F800000, v5;
	vm1 =	vge.f32 v10, v12  }
0x35: {  	vm2 =	vge.f32 v7, v12;
	v7 =	vsub.f32 v8, v11;
	v8 =	vsel vm1, $0x3F800000, v5  }
0x36: {  	vm1 =	vge.f32 v9, v12;
	v9 =	vsel vm2, $0x3F800000, v5;
	v8 =	vsub.f32 v8, v13  }
0x37: {  	v9 =	vsub.f32 v9, v14;
	v10 =	vsel vm1, $0x3F800000, v5;
	v7 =	vadd.f32 v7, v11  }
0x38: {  	[tilespmem:$0x100] =	vst v6;
	v6 =	vsub.f32 v10, v15;
	v8 =	vadd.f32 v8, v13  }
0x39: {  	v9 =	vadd.f32 v9, v14;
	[tilespmem:$0x190] =	vst v7  }
0x3a: {  	v6 =	vadd.f32 v6, v15;
	[tilespmem:$0x1B0] =	vst v8  }
0x3b: {  	[tilespmem:$0x1A0] =	vst v9  }
0x3c: {  	s9 =	sadd.s32 $0x3800, s13;
	s7 =	simm.s32 $0x100;
	[tilespmem:$0x180] =	vst v6  }
0x3d: {  	[hbm4b:s9+s2] =	stream.linear.scatter [tilespmem:s7], [sflag:$0x1], $0x8, $0x38;
	[tilespmem:$0x200] =	vst v63  }
0x3e: {  	_ =	swait.ge [sflag:s5], $0x8  }
0x3f: {  	[sflag:s5] =	ssyncset.done $0x0  }
0x40: {  	s10 =	sadd.s32 $0x3A00, s13;
	s8 =	simm.s32 $0x180;
	[sflag:s5] =	ssyncadd.s32 $0xFFFFFFF8  }
0x41: {  	[hbm4b:s10+s2] =	stream.linear.scatter [tilespmem:s8], [sflag:$0x1], $0x40, $0x38;
	[tilespmem:$0x200] =	vst v63  }
0x42: {  	_ =	swait.ge [sflag:s5], $0x40  }
0x43: {  	[sflag:s5] =	ssyncset.done $0x0  }
0x44: {  	s11 =	sadd.s32 $0x8, s3;
	[sflag:s5] =	ssyncadd.s32 $0xFFFFFFC0  }
0x45: {  	[tilespmem:s2], [sflag:$0x1] =	stream.linear.gather [hbm4b:s11+s2], $0x40, $0x38;
	[tilespmem:$0x200] =	vst v63  }
0x46: {  	_ =	swait.ge [sflag:s5], $0x40  }
0x47: {  	[sflag:s5] =	ssyncset.done $0x0  }
0x48: {  	s12 =	sadd.s32 $0x8, s4;
	[sflag:s5] =	ssyncadd.s32 $0xFFFFFFC0  }
0x49: {  	[tilespmem:s6], [sflag:$0x1] =	stream.linear.gather [hbm4b:s12+s2], $0x40, $0x38;
	[tilespmem:$0x200] =	vst v63  }
0x4a: {  	_ =	swait.ge [sflag:s5], $0x40  }
0x4b: {  	[sflag:s5] =	ssyncset.done $0x0  }
0x4c: {  	[sflag:s5] =	ssyncadd.s32 $0xFFFFFFC0  }
0x4d: {  	v6 =	vld [tilespmem:$0x30]  }
0x4e: {  	v7 =	vld [tilespmem:$0x10]  }
0x4f: {  	v8 =	vld [tilespmem:$0x20];
	_ =	sdelay $0x1  }
0x50: {  	v9 =	vld [tilespmem:$0x0]  }
0x51: {  	(xrf1) =	vsort.dscd.msk.f32 $0xffff, v6, v1  }
0x52: {  	(xrf1) =	vsort.dscd.msk.f32 $0xffff, v7, v2  }
0x53: {  	(xrf1) =	vsort.dscd.msk.f32 $0xffff, v8, v3;
	_ =	sdelay $0x1  }
0x54: {  	(xrf1) =	vsort.dscd.msk.f32 $0xffff, v9, v0;
	_ =	sdelay $0x9  }
0x55: {  	v6, v7, _ =	vpop (xrf1)  }
0x56: {  	v6 =	vperm.xlane v6, v4;
	v7 =	vperm.xlane v7, v4;
	v8, v9, _ =	vpop (xrf1)  }
0x57: {  	v8 =	vperm.xlane v8, v4;
	v10, v11, _ =	vpop (xrf1)  }
0x58: {  	v9 =	vperm.xlane v9, v4;
	v6 =	vsel vm0, v10, v6;
	v7 =	vsel vm0, v11, v7  }
0x59: {  	v10, v11, _ =	vpop (xrf1);
	(xrf1) =	vsort.dscd.msk.f32 $0xffff, v6, v7  }
0x5a: {  	v6 =	vsel vm0, v10, v8;
	v7 =	vsel vm0, v11, v9  }
0x5b: {  	(xrf1) =	vsort.dscd.msk.f32 $0xffff, v6, v7;
	_ =	sdelay $0xb  }
0x5c: {  	v6, v7, _ =	vpop (xrf1)  }
0x5d: {  	v6 =	vperm.xlane v6, v4;
	v7 =	vperm.xlane v7, v4  }
0x5e: {  	v8, v9, _ =	vpop (xrf1)  }
0x5f: {  	v6 =	vsel vm0, v8, v6;
	v7 =	vsel vm0, v9, v7  }
0x60: {  	(xrf1) =	vsort.dscd.msk.f32 $0xffff, v6, v7;
	_ =	sdelay $0xd  }
0x61: {  	v6, v7, _ =	vpop (xrf1)  }
0x62: {  	v6 =	vnsel vm0, $0x7F800000, v6  }
0x63: {  	(xrf0) =	vmin.scan.msk.f32 $0xffff, v6  }
0x64: {  	v60 =	vld [tilespmem:$0x80]  }
0x65: {  	v10 =	vld [tilespmem:$0x0]  }
0x66: {  	v11 =	vld [tilespmem:$0x30]  }
0x67: {  	v9 =	vld [tilespmem:$0x10]  }
0x68: {  	v8 =	vld [tilespmem:$0x20]  }
0x69: {  	v62 =	vld [tilespmem:$0xA0];
	v61, _, _ =	vpop (xrf0)  }
0x6a: {  	s14 =	ssub.s32 $0x2, s14;
	v63 =	vld [tilespmem:$0x90];
	v13 =	vbroadcast v61, $0xF  }
0x6b: {  	s15 =	sshrl.u32 s14, $0x1;
	v6 =	vld [tilespmem:$0xB0]  }
0x6c: {  	s15 =	ssub.s32 s14, s15;
	vm1 =	vge.f32 v10, v13;
	vm2 =	vge.f32 v9, v13  }
0x6d: {  	p0 =	sne.s32 s15, $0x1;
	vm3 =	vge.f32 v8, v13;
	v8 =	vsel vm1, $0x3F800000, v5;
	vm1 =	vge.f32 v11, v13  }
.Ltmp1:
0x6e: {  	v9 =	vsel vm3, $0x3F800000, v5;
	v11 =	vsel vm2, $0x3F800000, v5;
	v8 =	vsub.f32 v8, v60;
	(pc) =	sbr.rel @!p0 .LBB2_3-.Ltmp1, $4  }
0x6f: {  	v10 =	vsel vm1, $0x3F800000, v5;
	v9 =	vsub.f32 v9, v62;
	v11 =	vsub.f32 v11, v63  }
0x70: {  	v10 =	vsub.f32 v10, v6;
	v8 =	vadd.f32 v8, v60  }
0x71: {  	[tilespmem:$0x100] =	vst v7;
	v7 =	vadd.f32 v9, v62  }
0x72: {  	s14 =	sadd.s32 $0x3801, s13;
	s13 =	sadd.s32 $0x3A08, s13;
	s15 =	sadd.s32 $0xFFFFFFFF, s15;
	v6 =	vadd.f32 v10, v6;
	[tilespmem:$0x180] =	vst v8;
	v8 =	vadd.f32 v11, v63  }
.LBB2_2:
0x73: {  	p0 =	sne.s32 s15, $0x1;
	s15 =	sadd.s32 $0xFFFFFFFF, s15;
	[tilespmem:$0x1A0] =	vst v7  }
0x74: {  	[tilespmem:$0x190] =	vst v8  }
0x75: {  	[tilespmem:$0x1B0] =	vst v6  }
0x76: {  	[hbm4b:s14+s2] =	stream.linear.scatter [tilespmem:s7], [sflag:$0x1], $0x8, $0x38;
	[tilespmem:$0x200] =	vst v63  }
0x77: {  	_ =	swait.ge [sflag:s5], $0x8  }
0x78: {  	[sflag:s5] =	ssyncset.done $0x0  }
0x79: {  	[sflag:s5] =	ssyncadd.s32 $0xFFFFFFF8  }
0x7a: {  	[hbm4b:s13+s2] =	stream.linear.scatter [tilespmem:s8], [sflag:$0x1], $0x40, $0x38;
	[tilespmem:$0x200] =	vst v63  }
0x7b: {  	_ =	swait.ge [sflag:s5], $0x40  }
0x7c: {  	[sflag:s5] =	ssyncset.done $0x0  }
0x7d: {  	[sflag:s5] =	ssyncadd.s32 $0xFFFFFFC0  }
0x7e: {  	[tilespmem:s2], [sflag:$0x1] =	stream.linear.gather [hbm4b:s3+s2], $0x40, $0x38;
	[tilespmem:$0x200] =	vst v63  }
0x7f: {  	_ =	swait.ge [sflag:s5], $0x40  }
0x80: {  	[sflag:s5] =	ssyncset.done $0x0  }
0x81: {  	[sflag:s5] =	ssyncadd.s32 $0xFFFFFFC0  }
0x82: {  	[tilespmem:s6], [sflag:$0x1] =	stream.linear.gather [hbm4b:s4+s2], $0x40, $0x38;
	[tilespmem:$0x200] =	vst v63  }
0x83: {  	_ =	swait.ge [sflag:s5], $0x40  }
0x84: {  	[sflag:s5] =	ssyncset.done $0x0  }
0x85: {  	[sflag:s5] =	ssyncadd.s32 $0xFFFFFFC0  }
0x86: {  	v6 =	vld [tilespmem:$0x30]  }
0x87: {  	v7 =	vld [tilespmem:$0x10]  }
0x88: {  	v8 =	vld [tilespmem:$0x20]  }
0x89: {  	v9 =	vld [tilespmem:$0x0];
	_ =	sdelay $0x1  }
0x8a: {  	(xrf1) =	vsort.dscd.msk.f32 $0xffff, v6, v1  }
0x8b: {  	(xrf1) =	vsort.dscd.msk.f32 $0xffff, v7, v2  }
0x8c: {  	(xrf1) =	vsort.dscd.msk.f32 $0xffff, v8, v3  }
0x8d: {  	(xrf1) =	vsort.dscd.msk.f32 $0xffff, v9, v0;
	_ =	sdelay $0xa  }
0x8e: {  	v6, v7, _ =	vpop (xrf1)  }
0x8f: {  	v6 =	vperm.xlane v6, v4;
	v7 =	vperm.xlane v7, v4;
	v8, v9, _ =	vpop (xrf1)  }
0x90: {  	v8 =	vperm.xlane v8, v4;
	v9 =	vperm.xlane v9, v4;
	v10, v11, _ =	vpop (xrf1)  }
0x91: {  	v6 =	vsel vm0, v10, v6;
	v7 =	vsel vm0, v11, v7;
	v10, v11, _ =	vpop (xrf1)  }
0x92: {  	v8 =	vsel vm0, v10, v8;
	v9 =	vsel vm0, v11, v9;
	(xrf1) =	vsort.dscd.msk.f32 $0xffff, v6, v7;
	_ =	sdelay $0x1  }
0x93: {  	(xrf1) =	vsort.dscd.msk.f32 $0xffff, v8, v9;
	_ =	sdelay $0xb  }
0x94: {  	v6, v7, _ =	vpop (xrf1)  }
0x95: {  	v6 =	vperm.xlane v6, v4;
	v7 =	vperm.xlane v7, v4  }
0x96: {  	v8, v9, _ =	vpop (xrf1)  }
0x97: {  	v6 =	vsel vm0, v8, v6;
	v7 =	vsel vm0, v9, v7  }
0x98: {  	(xrf1) =	vsort.dscd.msk.f32 $0xffff, v6, v7;
	_ =	sdelay $0xd  }
0x99: {  	v6, v7, _ =	vpop (xrf1)  }
0x9a: {  	v6 =	vnsel vm0, $0x7F800000, v6;
	[tilespmem:$0x100] =	vst v7  }
0x9b: {  	(xrf0) =	vmin.scan.msk.f32 $0xffff, v6  }
0x9c: {  	v6 =	vld [tilespmem:$0xA0]  }
0x9d: {  	v7 =	vld [tilespmem:$0x20]  }
0x9e: {  	v8 =	vld [tilespmem:$0x10]  }
0x9f: {  	v9 =	vld [tilespmem:$0x0]  }
0xa0: {  	v10 =	vld [tilespmem:$0x30]  }
0xa1: {  	v11 =	vld [tilespmem:$0x90];
	v12, _, _ =	vpop (xrf0)  }
0xa2: {  	v12 =	vbroadcast v12, $0xF;
	v13 =	vld [tilespmem:$0xB0];
	_ =	sdelay $0x1  }
0xa3: {  	v14 =	vld [tilespmem:$0x80];
	vm1 =	vge.f32 v9, v12;
	vm2 =	vge.f32 v8, v12;
	vm3 =	vge.f32 v7, v12  }
0xa4: {  	v7 =	vsel vm2, $0x3F800000, v5;
	v8 =	vsel vm3, $0x3F800000, v5;
	vm2 =	vge.f32 v10, v12  }
0xa5: {  	v7 =	vsub.f32 v7, v11;
	v8 =	vsub.f32 v8, v6;
	v9 =	vsel vm2, $0x3F800000, v5  }
0xa6: {  	v10 =	vsel vm1, $0x3F800000, v5;
	v9 =	vsub.f32 v9, v13  }
0xa7: {  	v7 =	vadd.f32 v7, v11;
	v6 =	vadd.f32 v8, v6  }
0xa8: {  	v8 =	vsub.f32 v10, v14;
	v9 =	vadd.f32 v9, v13  }
0xa9: {  	[tilespmem:$0x190] =	vst v7  }
0xaa: {  	v7 =	vadd.f32 v8, v14;
	[tilespmem:$0x1B0] =	vst v9  }
0xab: {  	[tilespmem:$0x1A0] =	vst v6  }
0xac: {  	[tilespmem:$0x180] =	vst v7  }
0xad: {  	[hbm4b:s9+s2] =	stream.linear.scatter [tilespmem:s7], [sflag:$0x1], $0x8, $0x38;
	[tilespmem:$0x200] =	vst v63  }
0xae: {  	_ =	swait.ge [sflag:s5], $0x8  }
0xaf: {  	[sflag:s5] =	ssyncset.done $0x0  }
0xb0: {  	[sflag:s5] =	ssyncadd.s32 $0xFFFFFFF8  }
0xb1: {  	[hbm4b:s10+s2] =	stream.linear.scatter [tilespmem:s8], [sflag:$0x1], $0x40, $0x38;
	[tilespmem:$0x200] =	vst v63  }
0xb2: {  	_ =	swait.ge [sflag:s5], $0x40  }
0xb3: {  	[sflag:s5] =	ssyncset.done $0x0  }
0xb4: {  	[sflag:s5] =	ssyncadd.s32 $0xFFFFFFC0  }
0xb5: {  	[tilespmem:s2], [sflag:$0x1] =	stream.linear.gather [hbm4b:s11+s2], $0x40, $0x38;
	[tilespmem:$0x200] =	vst v63  }
0xb6: {  	_ =	swait.ge [sflag:s5], $0x40  }
0xb7: {  	[sflag:s5] =	ssyncset.done $0x0  }
0xb8: {  	[sflag:s5] =	ssyncadd.s32 $0xFFFFFFC0  }
0xb9: {  	[tilespmem:s6], [sflag:$0x1] =	stream.linear.gather [hbm4b:s12+s2], $0x40, $0x38;
	[tilespmem:$0x200] =	vst v63  }
0xba: {  	_ =	swait.ge [sflag:s5], $0x40  }
0xbb: {  	[sflag:s5] =	ssyncset.done $0x0  }
0xbc: {  	[sflag:s5] =	ssyncadd.s32 $0xFFFFFFC0  }
0xbd: {  	v6 =	vld [tilespmem:$0x30]  }
0xbe: {  	v7 =	vld [tilespmem:$0x10]  }
0xbf: {  	v8 =	vld [tilespmem:$0x20]  }
0xc0: {  	v9 =	vld [tilespmem:$0x0];
	_ =	sdelay $0x1  }
0xc1: {  	(xrf1) =	vsort.dscd.msk.f32 $0xffff, v6, v1  }
0xc2: {  	(xrf1) =	vsort.dscd.msk.f32 $0xffff, v7, v2  }
0xc3: {  	(xrf1) =	vsort.dscd.msk.f32 $0xffff, v8, v3  }
0xc4: {  	(xrf1) =	vsort.dscd.msk.f32 $0xffff, v9, v0;
	_ =	sdelay $0xa  }
0xc5: {  	v6, v7, _ =	vpop (xrf1)  }
0xc6: {  	v6 =	vperm.xlane v6, v4;
	v7 =	vperm.xlane v7, v4;
	v8, v9, _ =	vpop (xrf1)  }
0xc7: {  	v8 =	vperm.xlane v8, v4;
	v9 =	vperm.xlane v9, v4;
	v10, v11, _ =	vpop (xrf1)  }
0xc8: {  	v6 =	vsel vm0, v10, v6;
	v7 =	vsel vm0, v11, v7;
	v10, v11, _ =	vpop (xrf1)  }
0xc9: {  	v8 =	vsel vm0, v10, v8;
	v9 =	vsel vm0, v11, v9;
	(xrf1) =	vsort.dscd.msk.f32 $0xffff, v6, v7;
	_ =	sdelay $0x1  }
0xca: {  	(xrf1) =	vsort.dscd.msk.f32 $0xffff, v8, v9;
	_ =	sdelay $0xb  }
0xcb: {  	v6, v7, _ =	vpop (xrf1)  }
0xcc: {  	v6 =	vperm.xlane v6, v4;
	v7 =	vperm.xlane v7, v4  }
0xcd: {  	v8, v9, _ =	vpop (xrf1)  }
0xce: {  	v6 =	vsel vm0, v8, v6;
	v7 =	vsel vm0, v9, v7  }
0xcf: {  	(xrf1) =	vsort.dscd.msk.f32 $0xffff, v6, v7;
	_ =	sdelay $0xd  }
0xd0: {  	v6, v7, _ =	vpop (xrf1)  }
0xd1: {  	v6 =	vnsel vm0, $0x7F800000, v6;
	[tilespmem:$0x100] =	vst v7  }
0xd2: {  	(xrf0) =	vmin.scan.msk.f32 $0xffff, v6  }
0xd3: {  	v6 =	vld [tilespmem:$0xB0]  }
0xd4: {  	v7 =	vld [tilespmem:$0x20]  }
0xd5: {  	v8 =	vld [tilespmem:$0x10]  }
0xd6: {  	v9 =	vld [tilespmem:$0x0]  }
0xd7: {  	v10 =	vld [tilespmem:$0x30]  }
0xd8: {  	v11 =	vld [tilespmem:$0x80];
	v12, _, _ =	vpop (xrf0)  }
0xd9: {  	v12 =	vbroadcast v12, $0xF;
	v13 =	vld [tilespmem:$0xA0]  }
0xda: {  	v14 =	vld [tilespmem:$0x90]  }
0xdb: {  	vm1 =	vge.f32 v9, v12;
	vm2 =	vge.f32 v8, v12;
	vm3 =	vge.f32 v7, v12  }
0xdc: {  	v7 =	vsel vm1, $0x3F800000, v5;
	v8 =	vsel vm2, $0x3F800000, v5;
	vm1 =	vge.f32 v10, v12  }
.Ltmp2:
0xdd: {  	v9 =	vsel vm3, $0x3F800000, v5;
	v7 =	vsub.f32 v7, v11;
	v10 =	vsel vm1, $0x3F800000, v5;
	(pc) =	sbr.rel @p0 .LBB2_2-.Ltmp2, $4  }
0xde: {  	v9 =	vsub.f32 v9, v13;
	v10 =	vsub.f32 v10, v6  }
0xdf: {  	v11 =	vadd.f32 v7, v11;
	v8 =	vsub.f32 v8, v14  }
0xe0: {  	v7 =	vadd.f32 v9, v13;
	v6 =	vadd.f32 v10, v6  }
0xe1: {  	[tilespmem:$0x180] =	vst v11;
	v8 =	vadd.f32 v8, v14  }
.LBB2_3:
0xe2: {  	[tilespmem:$0x1A0] =	vst v7  }
0xe3: {  	[tilespmem:$0x190] =	vst v8  }
0xe4: {  	[tilespmem:$0x1B0] =	vst v6  }
0xe5: {  	[hbm4b:s14+s2] =	stream.linear.scatter [tilespmem:s7], [sflag:$0x1], $0x8, $0x38;
	[tilespmem:$0x200] =	vst v63  }
0xe6: {  	_ =	swait.ge [sflag:s5], $0x8  }
0xe7: {  	[sflag:s5] =	ssyncset.done $0x0  }
0xe8: {  	[sflag:s5] =	ssyncadd.s32 $0xFFFFFFF8  }
0xe9: {  	[hbm4b:s13+s2] =	stream.linear.scatter [tilespmem:s8], [sflag:$0x1], $0x40, $0x38;
	[tilespmem:$0x200] =	vst v63  }
0xea: {  	_ =	swait.ge [sflag:s5], $0x40  }
0xeb: {  	[sflag:s5] =	ssyncset.done $0x0  }
0xec: {  	[sflag:s5] =	ssyncadd.s32 $0xFFFFFFC0  }
.LBB2_4:
0xed: {  	_ =	sfence.sel $0x180000  }
0xee: {  	[bflag:$0x0] =	sbarrier.arrive $0xFFFF  }
0xef: {  	p0 =	sne.s32 s1, $0x0;
	_ =	strace $0x90000047  }
0xf0: {  	s0 =	sadd.s32 @!p0 $0x100000, s0;
	[bflag:$0x2] =	sbarrier.arrive $0xFFFF  }
0xf1: {  	[sflag:s0] =	ssyncadd.tile.s32 @!p0 $0x1;
	_ =	shalt  }
.Lfunc_end2:
_tile_overlayer_lowered:
.L_overlay_start_2:
0xf2: {  	(tag) =	ssettag $0x2  }
0xf3: {  	s0 =	rddreg [dreg:$0x0];
	s2 =	stileid.u32  }
0xf4: {  	s1 =	rddreg [dreg:$0x1];
	p0 =	sne.s32 s2, $0x0  }
0xf5: {  	s3 =	rddreg [dreg:$0x2];
	[bflag:$0x3] =	sbarrier.arrive $0xFFFF;
	s2 =	simm.s32 @!p0 $0x1C01  }
0xf6: {  	[timem:s3], [sflag:s2] =	dma.local @!p0 [hbm:s0], s1  }
0xf7: {  	s0 =	simm.s32 @!p0 $0x1  }
0xf8: {  	_ =	swait.ge @!p0 [sflag:s0], s1  }
0xf9: {  	s1 =	ssub.s32 @!p0 $0x0, s1;
	[sflag:s0] =	ssyncset.done @!p0 $0x0  }
0xfa: {  	[sflag:s0] =	ssyncadd.s32 @!p0 s1  }
0xfb: {  	[bflag:$0x3] =	sbarrier.arrive $0xFFFF  }
0xfc: {  	_ =	shalt  }

</sc_bundles>
